<compile_context>
chip_gen: v7x
topology: tpu7x:2x2x1
jax: 0.10.2.dev20260603
libtpu: 0.0.44.dev20260713+nightly
codegen_flags: <defaults>
</compile_context>

<pallas_src>
import jax
import jax.numpy as jnp
from jax.experimental import pallas as pl
from jax.experimental.pallas import tpu as pltpu

CH = 800_000
NBUF = 4


def kernel(h, p, X_obs, M_obs, w_prep, bias_prep, W_ih, W_hh, b_ih, b_hh, i_obs):
    N, H = h.shape
    B, D = X_obs.shape
    total = N * H
    T = total // CH
    hf = h.reshape(total)

    def body(h_ref, out_ref, loss_ref, *rest):
        bufs = rest[:NBUF]
        gsem = rest[NBUF:2 * NBUF]
        ssem = rest[2 * NBUF:]

        def gcopy(t, b):
            return pltpu.make_async_copy(
                h_ref.at[pl.ds(t * CH, CH)], bufs[b], gsem[b])

        def scopy(t, b):
            return pltpu.make_async_copy(
                bufs[b], out_ref.at[pl.ds(t * CH, CH)], ssem[b])

        loss_ref[...] = jnp.zeros_like(loss_ref)
        for t in range(min(NBUF, T)):
            gcopy(t, t % NBUF).start()
        for t in range(T):
            b = t % NBUF
            gcopy(t, b).wait()
            scopy(t, b).start()
            nt = t + NBUF
            if nt < T:
                scopy(t, b).wait()
                gcopy(nt, b).start()
        for t in range(max(0, T - NBUF), T):
            scopy(t, t % NBUF).wait()

    out, losses = pl.pallas_call(
        body,
        grid=(1,),
        in_specs=[pl.BlockSpec(memory_space=pltpu.MemorySpace.HBM)],
        out_specs=[
            pl.BlockSpec(memory_space=pltpu.MemorySpace.HBM),
            pl.BlockSpec((B, D), lambda i: (0, 0)),
        ],
        out_shape=[
            jax.ShapeDtypeStruct((total,), h.dtype),
            jax.ShapeDtypeStruct((B, D), X_obs.dtype),
        ],
        scratch_shapes=(
            [pltpu.MemorySpace.VMEM((CH,), jnp.float32) for _ in range(NBUF)]
            + [pltpu.SemaphoreType.DMA for _ in range(2 * NBUF)]),
    )(hf)
    return (out.reshape(N, H), losses)

# --- scband reference (transcript-rebuilt; emitter-appended) ---
"""Pipeline reference for scband-gruobservation-cell-logvar-63273458205108 (READ-ONLY COPY).

The authoritative reference and input builder live on the scoring server;
editing this copy changes nothing except your own understanding.
"""

import jax, jax.numpy as jnp
import numpy as np
import math

N, H, D, P, B = 500000, 64, 32, 4, 16384


def setup_inputs(seed: int = 0):
    key = jax.random.key(seed)
    ks = jax.random.split(key, 9)
    h = jax.random.normal(ks[0], (N, H), dtype=jnp.float32)
    p = jax.random.normal(ks[1], (N, 2 * D), dtype=jnp.float32)
    X_obs = jax.random.normal(ks[2], (B, D), dtype=jnp.float32)
    M_obs = jax.random.uniform(ks[3], (B, D), dtype=jnp.float32)
    i_obs = jnp.arange(B, dtype=jnp.int32)
    std = math.sqrt(2.0 / (4 + P))
    w_prep = std * jax.random.normal(ks[4], (D, 4, P), dtype=jnp.float32)
    bias_prep = 0.1 + jnp.zeros((D, P), dtype=jnp.float32)
    kg = 1.0 / math.sqrt(H)
    W_ih = jax.random.uniform(ks[5], (3 * H, P * D), minval=-kg, maxval=kg, dtype=jnp.float32)
    W_hh = jax.random.uniform(ks[6], (3 * H, H), minval=-kg, maxval=kg, dtype=jnp.float32)
    b_ih = jax.random.uniform(ks[7], (3 * H,), minval=-kg, maxval=kg, dtype=jnp.float32)
    b_hh = jax.random.uniform(ks[8], (3 * H,), minval=-kg, maxval=kg, dtype=jnp.float32)
    return {"h": h, "p": p, "X_obs": X_obs, "M_obs": M_obs, "w_prep": w_prep, "bias_prep": bias_prep, "W_ih": W_ih, "W_hh": W_hh, "b_ih": b_ih, "b_hh": b_hh, "i_obs": i_obs}


def _gru_cell(x, hx, W_ih, W_hh, b_ih, b_hh):
    gi = x @ W_ih.T + b_ih
    gh = hx @ W_hh.T + b_hh
    i_r, i_z, i_n = jnp.split(gi, 3, axis=1)
    h_r, h_z, h_n = jnp.split(gh, 3, axis=1)
    r = jax.nn.sigmoid(i_r + h_r)
    z = jax.nn.sigmoid(i_z + h_z)
    n = jnp.tanh(i_n + r * h_n)
    return (1.0 - z) * n + z * hx


def reference(h, p, X_obs, M_obs, w_prep, bias_prep, W_ih, W_hh, b_ih, b_hh, i_obs):
    p_obs = p[i_obs]
    mean, logvar = jnp.split(p_obs, 2, axis=1)
    logvar_c = jnp.clip(logvar, -10.0, 10.0)
    sigma = jnp.exp(0.5 * logvar_c)
    sigma_c = jnp.clip(sigma, 1e-06, 1000000.0)
    error = (X_obs - mean) / sigma_c
    error_c = jnp.clip(error, -1000000.0, 1000000.0)
    llc = math.log(math.sqrt(2.0 * math.pi))
    losses = 0.5 * ((error_c ** 2 + logvar_c + 2.0 * llc) * M_obs)
    stacked = jnp.stack([X_obs, mean, logvar_c, error_c], axis=2)
    gin = jnp.einsum('bdf,dfp->bdp', stacked, w_prep) + bias_prep
    gin = jax.nn.relu(gin)
    gin = gin * M_obs[:, :, None]
    gin = gin.reshape(gin.shape[0], D * P)
    h_obs = h[i_obs]
    h_new = _gru_cell(gin, h_obs, W_ih, W_hh, b_ih, b_hh)
    h_out = h.at[i_obs].set(h_new)
    return (h_out, losses)

if __name__ == "__main__":
    import jax
    _d = setup_inputs()
    print(jax.jit(kernel)(*tuple(_d.values())))

</pallas_src>

<mosaic_0001>
module attributes {stable_mosaic.version = 14 : i64} {
  func.func @body(%arg0: i32, %arg1: memref<32000000xf32, #tpu.memory_space<hbm>>, %arg2: memref<32000000xf32, #tpu.memory_space<hbm>>, %arg3: memref<16384x32xf32, #tpu.memory_space<vmem>>, %arg4: memref<800000xf32, #tpu.memory_space<vmem>>, %arg5: memref<800000xf32, #tpu.memory_space<vmem>>, %arg6: memref<800000xf32, #tpu.memory_space<vmem>>, %arg7: memref<800000xf32, #tpu.memory_space<vmem>>, %arg8: memref<!tpu.dma_semaphore, #tpu.memory_space<semaphore_mem>>, %arg9: memref<!tpu.dma_semaphore, #tpu.memory_space<semaphore_mem>>, %arg10: memref<!tpu.dma_semaphore, #tpu.memory_space<semaphore_mem>>, %arg11: memref<!tpu.dma_semaphore, #tpu.memory_space<semaphore_mem>>, %arg12: memref<!tpu.dma_semaphore, #tpu.memory_space<semaphore_mem>>, %arg13: memref<!tpu.dma_semaphore, #tpu.memory_space<semaphore_mem>>, %arg14: memref<!tpu.dma_semaphore, #tpu.memory_space<semaphore_mem>>, %arg15: memref<!tpu.dma_semaphore, #tpu.memory_space<semaphore_mem>>) attributes {dimension_semantics = [#tpu.dimension_semantics<arbitrary>], iteration_bounds = array<i64: 1>, scalar_prefetch = 0 : i64, scratch_operands = 12 : i64, tpu.core_type = #tpu.core_type<tc>, window_params = [{}, {}, {pipeline_mode = #tpu.pipeline_mode<synchronous>, transform_indices = @transform_2, window_bounds = array<i64: 16384, 32>}]} {
    %broadcast_in_dim3A = arith.constant 0.000000e+00 : f32
    %broadcast_in_dim3A_0 = vector.broadcast %broadcast_in_dim3A : f32 to vector<16384x32xf32>
    %swap3A = arith.constant 0 : index
    %swap3A_1 = arith.constant 0 : index
    %swap3A_2 = vector.load %arg3[%swap3A, %swap3A_1] : memref<16384x32xf32, #tpu.memory_space<vmem>>, vector<16384x32xf32>
    tpu.vector_store %arg3[%swap3A, %swap3A_1], %broadcast_in_dim3A_0 {strides = array<i32>} : memref<16384x32xf32, #tpu.memory_space<vmem>>, vector<16384x32xf32>,
    %dma_start3A = arith.constant 0 : i32
    %dma_start3A_3 = tpu.memref_slice %arg1[%dma_start3A] : memref<32000000xf32, #tpu.memory_space<hbm>> -> memref<800000xf32, #tpu.memory_space<hbm>>
    tpu.enqueue_dma source(%dma_start3A_3 : memref<800000xf32, #tpu.memory_space<hbm>>) target(%arg4 : memref<800000xf32, #tpu.memory_space<vmem>>) target_semaphore(%arg8 : memref<!tpu.dma_semaphore, #tpu.memory_space<semaphore_mem>>)
    %dma_start3A_4 = arith.constant 800000 : i32
    %dma_start3A_5 = tpu.memref_slice %arg1[%dma_start3A_4] : memref<32000000xf32, #tpu.memory_space<hbm>> -> memref<800000xf32, #tpu.memory_space<hbm>>
    tpu.enqueue_dma source(%dma_start3A_5 : memref<800000xf32, #tpu.memory_space<hbm>>) target(%arg5 : memref<800000xf32, #tpu.memory_space<vmem>>) target_semaphore(%arg9 : memref<!tpu.dma_semaphore, #tpu.memory_space<semaphore_mem>>)
    %dma_start3A_6 = arith.constant 1600000 : i32
    %dma_start3A_7 = tpu.memref_slice %arg1[%dma_start3A_6] : memref<32000000xf32, #tpu.memory_space<hbm>> -> memref<800000xf32, #tpu.memory_space<hbm>>
    tpu.enqueue_dma source(%dma_start3A_7 : memref<800000xf32, #tpu.memory_space<hbm>>) target(%arg6 : memref<800000xf32, #tpu.memory_space<vmem>>) target_semaphore(%arg10 : memref<!tpu.dma_semaphore, #tpu.memory_space<semaphore_mem>>)
    %dma_start3A_8 = arith.constant 2400000 : i32
    %dma_start3A_9 = tpu.memref_slice %arg1[%dma_start3A_8] : memref<32000000xf32, #tpu.memory_space<hbm>> -> memref<800000xf32, #tpu.memory_space<hbm>>
    tpu.enqueue_dma source(%dma_start3A_9 : memref<800000xf32, #tpu.memory_space<hbm>>) target(%arg7 : memref<800000xf32, #tpu.memory_space<vmem>>) target_semaphore(%arg11 : memref<!tpu.dma_semaphore, #tpu.memory_space<semaphore_mem>>)
    %dma_wait3A = arith.constant 0 : i32
    %dma_wait3A_10 = tpu.memref_slice %arg1[%dma_wait3A] : memref<32000000xf32, #tpu.memory_space<hbm>> -> memref<800000xf32, #tpu.memory_space<hbm>>
    tpu.wait_dma2 semaphore(%arg8 : memref<!tpu.dma_semaphore, #tpu.memory_space<semaphore_mem>>) src(%dma_wait3A_10 : memref<800000xf32, #tpu.memory_space<hbm>>) dst(%arg4 : memref<800000xf32, #tpu.memory_space<vmem>>)
    %dma_start3A_11 = arith.constant 0 : i32
    %dma_start3A_12 = tpu.memref_slice %arg2[%dma_start3A_11] : memref<32000000xf32, #tpu.memory_space<hbm>> -> memref<800000xf32, #tpu.memory_space<hbm>>
    tpu.enqueue_dma source(%arg4 : memref<800000xf32, #tpu.memory_space<vmem>>) target(%dma_start3A_12 : memref<800000xf32, #tpu.memory_space<hbm>>) target_semaphore(%arg12 : memref<!tpu.dma_semaphore, #tpu.memory_space<semaphore_mem>>)
    %dma_wait3A_13 = arith.constant 0 : i32
    %dma_wait3A_14 = tpu.memref_slice %arg2[%dma_wait3A_13] : memref<32000000xf32, #tpu.memory_space<hbm>> -> memref<800000xf32, #tpu.memory_space<hbm>>
    tpu.wait_dma2 semaphore(%arg12 : memref<!tpu.dma_semaphore, #tpu.memory_space<semaphore_mem>>) src(%arg4 : memref<800000xf32, #tpu.memory_space<vmem>>) dst(%dma_wait3A_14 : memref<800000xf32, #tpu.memory_space<hbm>>)
    %dma_start3A_15 = arith.constant 3200000 : i32
    %dma_start3A_16 = tpu.memref_slice %arg1[%dma_start3A_15] : memref<32000000xf32, #tpu.memory_space<hbm>> -> memref<800000xf32, #tpu.memory_space<hbm>>
    tpu.enqueue_dma source(%dma_start3A_16 : memref<800000xf32, #tpu.memory_space<hbm>>) target(%arg4 : memref<800000xf32, #tpu.memory_space<vmem>>) target_semaphore(%arg8 : memref<!tpu.dma_semaphore, #tpu.memory_space<semaphore_mem>>)
    %dma_wait3A_17 = arith.constant 800000 : i32
    %dma_wait3A_18 = tpu.memref_slice %arg1[%dma_wait3A_17] : memref<32000000xf32, #tpu.memory_space<hbm>> -> memref<800000xf32, #tpu.memory_space<hbm>>
    tpu.wait_dma2 semaphore(%arg9 : memref<!tpu.dma_semaphore, #tpu.memory_space<semaphore_mem>>) src(%dma_wait3A_18 : memref<800000xf32, #tpu.memory_space<hbm>>) dst(%arg5 : memref<800000xf32, #tpu.memory_space<vmem>>)
    %dma_start3A_19 = arith.constant 800000 : i32
    %dma_start3A_20 = tpu.memref_slice %arg2[%dma_start3A_19] : memref<32000000xf32, #tpu.memory_space<hbm>> -> memref<800000xf32, #tpu.memory_space<hbm>>
    tpu.enqueue_dma source(%arg5 : memref<800000xf32, #tpu.memory_space<vmem>>) target(%dma_start3A_20 : memref<800000xf32, #tpu.memory_space<hbm>>) target_semaphore(%arg13 : memref<!tpu.dma_semaphore, #tpu.memory_space<semaphore_mem>>)
    %dma_wait3A_21 = arith.constant 800000 : i32
    %dma_wait3A_22 = tpu.memref_slice %arg2[%dma_wait3A_21] : memref<32000000xf32, #tpu.memory_space<hbm>> -> memref<800000xf32, #tpu.memory_space<hbm>>
    tpu.wait_dma2 semaphore(%arg13 : memref<!tpu.dma_semaphore, #tpu.memory_space<semaphore_mem>>) src(%arg5 : memref<800000xf32, #tpu.memory_space<vmem>>) dst(%dma_wait3A_22 : memref<800000xf32, #tpu.memory_space<hbm>>)
    %dma_start3A_23 = arith.constant 4000000 : i32
    %dma_start3A_24 = tpu.memref_slice %arg1[%dma_start3A_23] : memref<32000000xf32, #tpu.memory_space<hbm>> -> memref<800000xf32, #tpu.memory_space<hbm>>
    tpu.enqueue_dma source(%dma_start3A_24 : memref<800000xf32, #tpu.memory_space<hbm>>) target(%arg5 : memref<800000xf32, #tpu.memory_space<vmem>>) target_semaphore(%arg9 : memref<!tpu.dma_semaphore, #tpu.memory_space<semaphore_mem>>)
    %dma_wait3A_25 = arith.constant 1600000 : i32
    %dma_wait3A_26 = tpu.memref_slice %arg1[%dma_wait3A_25] : memref<32000000xf32, #tpu.memory_space<hbm>> -> memref<800000xf32, #tpu.memory_space<hbm>>
    tpu.wait_dma2 semaphore(%arg10 : memref<!tpu.dma_semaphore, #tpu.memory_space<semaphore_mem>>) src(%dma_wait3A_26 : memref<800000xf32, #tpu.memory_space<hbm>>) dst(%arg6 : memref<800000xf32, #tpu.memory_space<vmem>>)
    %dma_start3A_27 = arith.constant 1600000 : i32
    %dma_start3A_28 = tpu.memref_slice %arg2[%dma_start3A_27] : memref<32000000xf32, #tpu.memory_space<hbm>> -> memref<800000xf32, #tpu.memory_space<hbm>>
    tpu.enqueue_dma source(%arg6 : memref<800000xf32, #tpu.memory_space<vmem>>) target(%dma_start3A_28 : memref<800000xf32, #tpu.memory_space<hbm>>) target_semaphore(%arg14 : memref<!tpu.dma_semaphore, #tpu.memory_space<semaphore_mem>>)
    %dma_wait3A_29 = arith.constant 1600000 : i32
    %dma_wait3A_30 = tpu.memref_slice %arg2[%dma_wait3A_29] : memref<32000000xf32, #tpu.memory_space<hbm>> -> memref<800000xf32, #tpu.memory_space<hbm>>
    tpu.wait_dma2 semaphore(%arg14 : memref<!tpu.dma_semaphore, #tpu.memory_space<semaphore_mem>>) src(%arg6 : memref<800000xf32, #tpu.memory_space<vmem>>) dst(%dma_wait3A_30 : memref<800000xf32, #tpu.memory_space<hbm>>)
    %dma_start3A_31 = arith.constant 4800000 : i32
    %dma_start3A_32 = tpu.memref_slice %arg1[%dma_start3A_31] : memref<32000000xf32, #tpu.memory_space<hbm>> -> memref<800000xf32, #tpu.memory_space<hbm>>
    tpu.enqueue_dma source(%dma_start3A_32 : memref<800000xf32, #tpu.memory_space<hbm>>) target(%arg6 : memref<800000xf32, #tpu.memory_space<vmem>>) target_semaphore(%arg10 : memref<!tpu.dma_semaphore, #tpu.memory_space<semaphore_mem>>)
    %dma_wait3A_33 = arith.constant 2400000 : i32
    %dma_wait3A_34 = tpu.memref_slice %arg1[%dma_wait3A_33] : memref<32000000xf32, #tpu.memory_space<hbm>> -> memref<800000xf32, #tpu.memory_space<hbm>>
    tpu.wait_dma2 semaphore(%arg11 : memref<!tpu.dma_semaphore, #tpu.memory_space<semaphore_mem>>) src(%dma_wait3A_34 : memref<800000xf32, #tpu.memory_space<hbm>>) dst(%arg7 : memref<800000xf32, #tpu.memory_space<vmem>>)
    %dma_start3A_35 = arith.constant 2400000 : i32
    %dma_start3A_36 = tpu.memref_slice %arg2[%dma_start3A_35] : memref<32000000xf32, #tpu.memory_space<hbm>> -> memref<800000xf32, #tpu.memory_space<hbm>>
    tpu.enqueue_dma source(%arg7 : memref<800000xf32, #tpu.memory_space<vmem>>) target(%dma_start3A_36 : memref<800000xf32, #tpu.memory_space<hbm>>) target_semaphore(%arg15 : memref<!tpu.dma_semaphore, #tpu.memory_space<semaphore_mem>>)
    %dma_wait3A_37 = arith.constant 2400000 : i32
    %dma_wait3A_38 = tpu.memref_slice %arg2[%dma_wait3A_37] : memref<32000000xf32, #tpu.memory_space<hbm>> -> memref<800000xf32, #tpu.memory_space<hbm>>
    tpu.wait_dma2 semaphore(%arg15 : memref<!tpu.dma_semaphore, #tpu.memory_space<semaphore_mem>>) src(%arg7 : memref<800000xf32, #tpu.memory_space<vmem>>) dst(%dma_wait3A_38 : memref<800000xf32, #tpu.memory_space<hbm>>)
    %dma_start3A_39 = arith.constant 5600000 : i32
    %dma_start3A_40 = tpu.memref_slice %arg1[%dma_start3A_39] : memref<32000000xf32, #tpu.memory_space<hbm>> -> memref<800000xf32, #tpu.memory_space<hbm>>
    tpu.enqueue_dma source(%dma_start3A_40 : memref<800000xf32, #tpu.memory_space<hbm>>) target(%arg7 : memref<800000xf32, #tpu.memory_space<vmem>>) target_semaphore(%arg11 : memref<!tpu.dma_semaphore, #tpu.memory_space<semaphore_mem>>)
    %dma_wait3A_41 = arith.constant 3200000 : i32
    %dma_wait3A_42 = tpu.memref_slice %arg1[%dma_wait3A_41] : memref<32000000xf32, #tpu.memory_space<hbm>> -> memref<800000xf32, #tpu.memory_space<hbm>>
    tpu.wait_dma2 semaphore(%arg8 : memref<!tpu.dma_semaphore, #tpu.memory_space<semaphore_mem>>) src(%dma_wait3A_42 : memref<800000xf32, #tpu.memory_space<hbm>>) dst(%arg4 : memref<800000xf32, #tpu.memory_space<vmem>>)
    %dma_start3A_43 = arith.constant 3200000 : i32
    %dma_start3A_44 = tpu.memref_slice %arg2[%dma_start3A_43] : memref<32000000xf32, #tpu.memory_space<hbm>> -> memref<800000xf32, #tpu.memory_space<hbm>>
    tpu.enqueue_dma source(%arg4 : memref<800000xf32, #tpu.memory_space<vmem>>) target(%dma_start3A_44 : memref<800000xf32, #tpu.memory_space<hbm>>) target_semaphore(%arg12 : memref<!tpu.dma_semaphore, #tpu.memory_space<semaphore_mem>>)
    %dma_wait3A_45 = arith.constant 3200000 : i32
    %dma_wait3A_46 = tpu.memref_slice %arg2[%dma_wait3A_45] : memref<32000000xf32, #tpu.memory_space<hbm>> -> memref<800000xf32, #tpu.memory_space<hbm>>
    tpu.wait_dma2 semaphore(%arg12 : memref<!tpu.dma_semaphore, #tpu.memory_space<semaphore_mem>>) src(%arg4 : memref<800000xf32, #tpu.memory_space<vmem>>) dst(%dma_wait3A_46 : memref<800000xf32, #tpu.memory_space<hbm>>)
    %dma_start3A_47 = arith.constant 6400000 : i32
    %dma_start3A_48 = tpu.memref_slice %arg1[%dma_start3A_47] : memref<32000000xf32, #tpu.memory_space<hbm>> -> memref<800000xf32, #tpu.memory_space<hbm>>
    tpu.enqueue_dma source(%dma_start3A_48 : memref<800000xf32, #tpu.memory_space<hbm>>) target(%arg4 : memref<800000xf32, #tpu.memory_space<vmem>>) target_semaphore(%arg8 : memref<!tpu.dma_semaphore, #tpu.memory_space<semaphore_mem>>)
    %dma_wait3A_49 = arith.constant 4000000 : i32
    %dma_wait3A_50 = tpu.memref_slice %arg1[%dma_wait3A_49] : memref<32000000xf32, #tpu.memory_space<hbm>> -> memref<800000xf32, #tpu.memory_space<hbm>>
    tpu.wait_dma2 semaphore(%arg9 : memref<!tpu.dma_semaphore, #tpu.memory_space<semaphore_mem>>) src(%dma_wait3A_50 : memref<800000xf32, #tpu.memory_space<hbm>>) dst(%arg5 : memref<800000xf32, #tpu.memory_space<vmem>>)
    %dma_start3A_51 = arith.constant 4000000 : i32
    %dma_start3A_52 = tpu.memref_slice %arg2[%dma_start3A_51] : memref<32000000xf32, #tpu.memory_space<hbm>> -> memref<800000xf32, #tpu.memory_space<hbm>>
    tpu.enqueue_dma source(%arg5 : memref<800000xf32, #tpu.memory_space<vmem>>) target(%dma_start3A_52 : memref<800000xf32, #tpu.memory_space<hbm>>) target_semaphore(%arg13 : memref<!tpu.dma_semaphore, #tpu.memory_space<semaphore_mem>>)
    %dma_wait3A_53 = arith.constant 4000000 : i32
    %dma_wait3A_54 = tpu.memref_slice %arg2[%dma_wait3A_53] : memref<32000000xf32, #tpu.memory_space<hbm>> -> memref<800000xf32, #tpu.memory_space<hbm>>
    tpu.wait_dma2 semaphore(%arg13 : memref<!tpu.dma_semaphore, #tpu.memory_space<semaphore_mem>>) src(%arg5 : memref<800000xf32, #tpu.memory_space<vmem>>) dst(%dma_wait3A_54 : memref<800000xf32, #tpu.memory_space<hbm>>)
    %dma_start3A_55 = arith.constant 7200000 : i32
    %dma_start3A_56 = tpu.memref_slice %arg1[%dma_start3A_55] : memref<32000000xf32, #tpu.memory_space<hbm>> -> memref<800000xf32, #tpu.memory_space<hbm>>
    tpu.enqueue_dma source(%dma_start3A_56 : memref<800000xf32, #tpu.memory_space<hbm>>) target(%arg5 : memref<800000xf32, #tpu.memory_space<vmem>>) target_semaphore(%arg9 : memref<!tpu.dma_semaphore, #tpu.memory_space<semaphore_mem>>)
    %dma_wait3A_57 = arith.constant 4800000 : i32
    %dma_wait3A_58 = tpu.memref_slice %arg1[%dma_wait3A_57] : memref<32000000xf32, #tpu.memory_space<hbm>> -> memref<800000xf32, #tpu.memory_space<hbm>>
    tpu.wait_dma2 semaphore(%arg10 : memref<!tpu.dma_semaphore, #tpu.memory_space<semaphore_mem>>) src(%dma_wait3A_58 : memref<800000xf32, #tpu.memory_space<hbm>>) dst(%arg6 : memref<800000xf32, #tpu.memory_space<vmem>>)
    %dma_start3A_59 = arith.constant 4800000 : i32
    %dma_start3A_60 = tpu.memref_slice %arg2[%dma_start3A_59] : memref<32000000xf32, #tpu.memory_space<hbm>> -> memref<800000xf32, #tpu.memory_space<hbm>>
    tpu.enqueue_dma source(%arg6 : memref<800000xf32, #tpu.memory_space<vmem>>) target(%dma_start3A_60 : memref<800000xf32, #tpu.memory_space<hbm>>) target_semaphore(%arg14 : memref<!tpu.dma_semaphore, #tpu.memory_space<semaphore_mem>>)
    %dma_wait3A_61 = arith.constant 4800000 : i32
    %dma_wait3A_62 = tpu.memref_slice %arg2[%dma_wait3A_61] : memref<32000000xf32, #tpu.memory_space<hbm>> -> memref<800000xf32, #tpu.memory_space<hbm>>
    tpu.wait_dma2 semaphore(%arg14 : memref<!tpu.dma_semaphore, #tpu.memory_space<semaphore_mem>>) src(%arg6 : memref<800000xf32, #tpu.memory_space<vmem>>) dst(%dma_wait3A_62 : memref<800000xf32, #tpu.memory_space<hbm>>)
    %dma_start3A_63 = arith.constant 8000000 : i32
    %dma_start3A_64 = tpu.memref_slice %arg1[%dma_start3A_63] : memref<32000000xf32, #tpu.memory_space<hbm>> -> memref<800000xf32, #tpu.memory_space<hbm>>
    tpu.enqueue_dma source(%dma_start3A_64 : memref<800000xf32, #tpu.memory_space<hbm>>) target(%arg6 : memref<800000xf32, #tpu.memory_space<vmem>>) target_semaphore(%arg10 : memref<!tpu.dma_semaphore, #tpu.memory_space<semaphore_mem>>)
    %dma_wait3A_65 = arith.constant 5600000 : i32
    %dma_wait3A_66 = tpu.memref_slice %arg1[%dma_wait3A_65] : memref<32000000xf32, #tpu.memory_space<hbm>> -> memref<800000xf32, #tpu.memory_space<hbm>>
    tpu.wait_dma2 semaphore(%arg11 : memref<!tpu.dma_semaphore, #tpu.memory_space<semaphore_mem>>) src(%dma_wait3A_66 : memref<800000xf32, #tpu.memory_space<hbm>>) dst(%arg7 : memref<800000xf32, #tpu.memory_space<vmem>>)
    %dma_start3A_67 = arith.constant 5600000 : i32
    %dma_start3A_68 = tpu.memref_slice %arg2[%dma_start3A_67] : memref<32000000xf32, #tpu.memory_space<hbm>> -> memref<800000xf32, #tpu.memory_space<hbm>>
    tpu.enqueue_dma source(%arg7 : memref<800000xf32, #tpu.memory_space<vmem>>) target(%dma_start3A_68 : memref<800000xf32, #tpu.memory_space<hbm>>) target_semaphore(%arg15 : memref<!tpu.dma_semaphore, #tpu.memory_space<semaphore_mem>>)
    %dma_wait3A_69 = arith.constant 5600000 : i32
    %dma_wait3A_70 = tpu.memref_slice %arg2[%dma_wait3A_69] : memref<32000000xf32, #tpu.memory_space<hbm>> -> memref<800000xf32, #tpu.memory_space<hbm>>
    tpu.wait_dma2 semaphore(%arg15 : memref<!tpu.dma_semaphore, #tpu.memory_space<semaphore_mem>>) src(%arg7 : memref<800000xf32, #tpu.memory_space<vmem>>) dst(%dma_wait3A_70 : memref<800000xf32, #tpu.memory_space<hbm>>)
    %dma_start3A_71 = arith.constant 8800000 : i32
    %dma_start3A_72 = tpu.memref_slice %arg1[%dma_start3A_71] : memref<32000000xf32, #tpu.memory_space<hbm>> -> memref<800000xf32, #tpu.memory_space<hbm>>
    tpu.enqueue_dma source(%dma_start3A_72 : memref<800000xf32, #tpu.memory_space<hbm>>) target(%arg7 : memref<800000xf32, #tpu.memory_space<vmem>>) target_semaphore(%arg11 : memref<!tpu.dma_semaphore, #tpu.memory_space<semaphore_mem>>)
    %dma_wait3A_73 = arith.constant 6400000 : i32
    %dma_wait3A_74 = tpu.memref_slice %arg1[%dma_wait3A_73] : memref<32000000xf32, #tpu.memory_space<hbm>> -> memref<800000xf32, #tpu.memory_space<hbm>>
    tpu.wait_dma2 semaphore(%arg8 : memref<!tpu.dma_semaphore, #tpu.memory_space<semaphore_mem>>) src(%dma_wait3A_74 : memref<800000xf32, #tpu.memory_space<hbm>>) dst(%arg4 : memref<800000xf32, #tpu.memory_space<vmem>>)
    %dma_start3A_75 = arith.constant 6400000 : i32
    %dma_start3A_76 = tpu.memref_slice %arg2[%dma_start3A_75] : memref<32000000xf32, #tpu.memory_space<hbm>> -> memref<800000xf32, #tpu.memory_space<hbm>>
    tpu.enqueue_dma source(%arg4 : memref<800000xf32, #tpu.memory_space<vmem>>) target(%dma_start3A_76 : memref<800000xf32, #tpu.memory_space<hbm>>) target_semaphore(%arg12 : memref<!tpu.dma_semaphore, #tpu.memory_space<semaphore_mem>>)
    %dma_wait3A_77 = arith.constant 6400000 : i32
    %dma_wait3A_78 = tpu.memref_slice %arg2[%dma_wait3A_77] : memref<32000000xf32, #tpu.memory_space<hbm>> -> memref<800000xf32, #tpu.memory_space<hbm>>
    tpu.wait_dma2 semaphore(%arg12 : memref<!tpu.dma_semaphore, #tpu.memory_space<semaphore_mem>>) src(%arg4 : memref<800000xf32, #tpu.memory_space<vmem>>) dst(%dma_wait3A_78 : memref<800000xf32, #tpu.memory_space<hbm>>)
    %dma_start3A_79 = arith.constant 9600000 : i32
    %dma_start3A_80 = tpu.memref_slice %arg1[%dma_start3A_79] : memref<32000000xf32, #tpu.memory_space<hbm>> -> memref<800000xf32, #tpu.memory_space<hbm>>
    tpu.enqueue_dma source(%dma_start3A_80 : memref<800000xf32, #tpu.memory_space<hbm>>) target(%arg4 : memref<800000xf32, #tpu.memory_space<vmem>>) target_semaphore(%arg8 : memref<!tpu.dma_semaphore, #tpu.memory_space<semaphore_mem>>)
    %dma_wait3A_81 = arith.constant 7200000 : i32
    %dma_wait3A_82 = tpu.memref_slice %arg1[%dma_wait3A_81] : memref<32000000xf32, #tpu.memory_space<hbm>> -> memref<800000xf32, #tpu.memory_space<hbm>>
    tpu.wait_dma2 semaphore(%arg9 : memref<!tpu.dma_semaphore, #tpu.memory_space<semaphore_mem>>) src(%dma_wait3A_82 : memref<800000xf32, #tpu.memory_space<hbm>>) dst(%arg5 : memref<800000xf32, #tpu.memory_space<vmem>>)
    %dma_start3A_83 = arith.constant 7200000 : i32
    %dma_start3A_84 = tpu.memref_slice %arg2[%dma_start3A_83] : memref<32000000xf32, #tpu.memory_space<hbm>> -> memref<800000xf32, #tpu.memory_space<hbm>>
    tpu.enqueue_dma source(%arg5 : memref<800000xf32, #tpu.memory_space<vmem>>) target(%dma_start3A_84 : memref<800000xf32, #tpu.memory_space<hbm>>) target_semaphore(%arg13 : memref<!tpu.dma_semaphore, #tpu.memory_space<semaphore_mem>>)
    %dma_wait3A_85 = arith.constant 7200000 : i32
    %dma_wait3A_86 = tpu.memref_slice %arg2[%dma_wait3A_85] : memref<32000000xf32, #tpu.memory_space<hbm>> -> memref<800000xf32, #tpu.memory_space<hbm>>
    tpu.wait_dma2 semaphore(%arg13 : memref<!tpu.dma_semaphore, #tpu.memory_space<semaphore_mem>>) src(%arg5 : memref<800000xf32, #tpu.memory_space<vmem>>) dst(%dma_wait3A_86 : memref<800000xf32, #tpu.memory_space<hbm>>)
    %dma_start3A_87 = arith.constant 10400000 : i32
    %dma_start3A_88 = tpu.memref_slice %arg1[%dma_start3A_87] : memref<32000000xf32, #tpu.memory_space<hbm>> -> memref<800000xf32, #tpu.memory_space<hbm>>
    tpu.enqueue_dma source(%dma_start3A_88 : memref<800000xf32, #tpu.memory_space<hbm>>) target(%arg5 : memref<800000xf32, #tpu.memory_space<vmem>>) target_semaphore(%arg9 : memref<!tpu.dma_semaphore, #tpu.memory_space<semaphore_mem>>)
    %dma_wait3A_89 = arith.constant 8000000 : i32
    %dma_wait3A_90 = tpu.memref_slice %arg1[%dma_wait3A_89] : memref<32000000xf32, #tpu.memory_space<hbm>> -> memref<800000xf32, #tpu.memory_space<hbm>>
    tpu.wait_dma2 semaphore(%arg10 : memref<!tpu.dma_semaphore, #tpu.memory_space<semaphore_mem>>) src(%dma_wait3A_90 : memref<800000xf32, #tpu.memory_space<hbm>>) dst(%arg6 : memref<800000xf32, #tpu.memory_space<vmem>>)
    %dma_start3A_91 = arith.constant 8000000 : i32
    %dma_start3A_92 = tpu.memref_slice %arg2[%dma_start3A_91] : memref<32000000xf32, #tpu.memory_space<hbm>> -> memref<800000xf32, #tpu.memory_space<hbm>>
    tpu.enqueue_dma source(%arg6 : memref<800000xf32, #tpu.memory_space<vmem>>) target(%dma_start3A_92 : memref<800000xf32, #tpu.memory_space<hbm>>) target_semaphore(%arg14 : memref<!tpu.dma_semaphore, #tpu.memory_space<semaphore_mem>>)
    %dma_wait3A_93 = arith.constant 8000000 : i32
    %dma_wait3A_94 = tpu.memref_slice %arg2[%dma_wait3A_93] : memref<32000000xf32, #tpu.memory_space<hbm>> -> memref<800000xf32, #tpu.memory_space<hbm>>
    tpu.wait_dma2 semaphore(%arg14 : memref<!tpu.dma_semaphore, #tpu.memory_space<semaphore_mem>>) src(%arg6 : memref<800000xf32, #tpu.memory_space<vmem>>) dst(%dma_wait3A_94 : memref<800000xf32, #tpu.memory_space<hbm>>)
    %dma_start3A_95 = arith.constant 11200000 : i32
    %dma_start3A_96 = tpu.memref_slice %arg1[%dma_start3A_95] : memref<32000000xf32, #tpu.memory_space<hbm>> -> memref<800000xf32, #tpu.memory_space<hbm>>
    tpu.enqueue_dma source(%dma_start3A_96 : memref<800000xf32, #tpu.memory_space<hbm>>) target(%arg6 : memref<800000xf32, #tpu.memory_space<vmem>>) target_semaphore(%arg10 : memref<!tpu.dma_semaphore, #tpu.memory_space<semaphore_mem>>)
    %dma_wait3A_97 = arith.constant 8800000 : i32
    %dma_wait3A_98 = tpu.memref_slice %arg1[%dma_wait3A_97] : memref<32000000xf32, #tpu.memory_space<hbm>> -> memref<800000xf32, #tpu.memory_space<hbm>>
    tpu.wait_dma2 semaphore(%arg11 : memref<!tpu.dma_semaphore, #tpu.memory_space<semaphore_mem>>) src(%dma_wait3A_98 : memref<800000xf32, #tpu.memory_space<hbm>>) dst(%arg7 : memref<800000xf32, #tpu.memory_space<vmem>>)
    %dma_start3A_99 = arith.constant 8800000 : i32
    %dma_start3A_100 = tpu.memref_slice %arg2[%dma_start3A_99] : memref<32000000xf32, #tpu.memory_space<hbm>> -> memref<800000xf32, #tpu.memory_space<hbm>>
    tpu.enqueue_dma source(%arg7 : memref<800000xf32, #tpu.memory_space<vmem>>) target(%dma_start3A_100 : memref<800000xf32, #tpu.memory_space<hbm>>) target_semaphore(%arg15 : memref<!tpu.dma_semaphore, #tpu.memory_space<semaphore_mem>>)
    %dma_wait3A_101 = arith.constant 8800000 : i32
    %dma_wait3A_102 = tpu.memref_slice %arg2[%dma_wait3A_101] : memref<32000000xf32, #tpu.memory_space<hbm>> -> memref<800000xf32, #tpu.memory_space<hbm>>
    tpu.wait_dma2 semaphore(%arg15 : memref<!tpu.dma_semaphore, #tpu.memory_space<semaphore_mem>>) src(%arg7 : memref<800000xf32, #tpu.memory_space<vmem>>) dst(%dma_wait3A_102 : memref<800000xf32, #tpu.memory_space<hbm>>)
    %dma_start3A_103 = arith.constant 12000000 : i32
    %dma_start3A_104 = tpu.memref_slice %arg1[%dma_start3A_103] : memref<32000000xf32, #tpu.memory_space<hbm>> -> memref<800000xf32, #tpu.memory_space<hbm>>
    tpu.enqueue_dma source(%dma_start3A_104 : memref<800000xf32, #tpu.memory_space<hbm>>) target(%arg7 : memref<800000xf32, #tpu.memory_space<vmem>>) target_semaphore(%arg11 : memref<!tpu.dma_semaphore, #tpu.memory_space<semaphore_mem>>)
    %dma_wait3A_105 = arith.constant 9600000 : i32
    %dma_wait3A_106 = tpu.memref_slice %arg1[%dma_wait3A_105] : memref<32000000xf32, #tpu.memory_space<hbm>> -> memref<800000xf32, #tpu.memory_space<hbm>>
    tpu.wait_dma2 semaphore(%arg8 : memref<!tpu.dma_semaphore, #tpu.memory_space<semaphore_mem>>) src(%dma_wait3A_106 : memref<800000xf32, #tpu.memory_space<hbm>>) dst(%arg4 : memref<800000xf32, #tpu.memory_space<vmem>>)
    %dma_start3A_107 = arith.constant 9600000 : i32
    %dma_start3A_108 = tpu.memref_slice %arg2[%dma_start3A_107] : memref<32000000xf32, #tpu.memory_space<hbm>> -> memref<800000xf32, #tpu.memory_space<hbm>>
    tpu.enqueue_dma source(%arg4 : memref<800000xf32, #tpu.memory_space<vmem>>) target(%dma_start3A_108 : memref<800000xf32, #tpu.memory_space<hbm>>) target_semaphore(%arg12 : memref<!tpu.dma_semaphore, #tpu.memory_space<semaphore_mem>>)
    %dma_wait3A_109 = arith.constant 9600000 : i32
    %dma_wait3A_110 = tpu.memref_slice %arg2[%dma_wait3A_109] : memref<32000000xf32, #tpu.memory_space<hbm>> -> memref<800000xf32, #tpu.memory_space<hbm>>
    tpu.wait_dma2 semaphore(%arg12 : memref<!tpu.dma_semaphore, #tpu.memory_space<semaphore_mem>>) src(%arg4 : memref<800000xf32, #tpu.memory_space<vmem>>) dst(%dma_wait3A_110 : memref<800000xf32, #tpu.memory_space<hbm>>)
    %dma_start3A_111 = arith.constant 12800000 : i32
    %dma_start3A_112 = tpu.memref_slice %arg1[%dma_start3A_111] : memref<32000000xf32, #tpu.memory_space<hbm>> -> memref<800000xf32, #tpu.memory_space<hbm>>
    tpu.enqueue_dma source(%dma_start3A_112 : memref<800000xf32, #tpu.memory_space<hbm>>) target(%arg4 : memref<800000xf32, #tpu.memory_space<vmem>>) target_semaphore(%arg8 : memref<!tpu.dma_semaphore, #tpu.memory_space<semaphore_mem>>)
    %dma_wait3A_113 = arith.constant 10400000 : i32
    %dma_wait3A_114 = tpu.memref_slice %arg1[%dma_wait3A_113] : memref<32000000xf32, #tpu.memory_space<hbm>> -> memref<800000xf32, #tpu.memory_space<hbm>>
    tpu.wait_dma2 semaphore(%arg9 : memref<!tpu.dma_semaphore, #tpu.memory_space<semaphore_mem>>) src(%dma_wait3A_114 : memref<800000xf32, #tpu.memory_space<hbm>>) dst(%arg5 : memref<800000xf32, #tpu.memory_space<vmem>>)
    %dma_start3A_115 = arith.constant 10400000 : i32
    %dma_start3A_116 = tpu.memref_slice %arg2[%dma_start3A_115] : memref<32000000xf32, #tpu.memory_space<hbm>> -> memref<800000xf32, #tpu.memory_space<hbm>>
    tpu.enqueue_dma source(%arg5 : memref<800000xf32, #tpu.memory_space<vmem>>) target(%dma_start3A_116 : memref<800000xf32, #tpu.memory_space<hbm>>) target_semaphore(%arg13 : memref<!tpu.dma_semaphore, #tpu.memory_space<semaphore_mem>>)
    %dma_wait3A_117 = arith.constant 10400000 : i32
    %dma_wait3A_118 = tpu.memref_slice %arg2[%dma_wait3A_117] : memref<32000000xf32, #tpu.memory_space<hbm>> -> memref<800000xf32, #tpu.memory_space<hbm>>
    tpu.wait_dma2 semaphore(%arg13 : memref<!tpu.dma_semaphore, #tpu.memory_space<semaphore_mem>>) src(%arg5 : memref<800000xf32, #tpu.memory_space<vmem>>) dst(%dma_wait3A_118 : memref<800000xf32, #tpu.memory_space<hbm>>)
    %dma_start3A_119 = arith.constant 13600000 : i32
    %dma_start3A_120 = tpu.memref_slice %arg1[%dma_start3A_119] : memref<32000000xf32, #tpu.memory_space<hbm>> -> memref<800000xf32, #tpu.memory_space<hbm>>
    tpu.enqueue_dma source(%dma_start3A_120 : memref<800000xf32, #tpu.memory_space<hbm>>) target(%arg5 : memref<800000xf32, #tpu.memory_space<vmem>>) target_semaphore(%arg9 : memref<!tpu.dma_semaphore, #tpu.memory_space<semaphore_mem>>)
    %dma_wait3A_121 = arith.constant 11200000 : i32
    %dma_wait3A_122 = tpu.memref_slice %arg1[%dma_wait3A_121] : memref<32000000xf32, #tpu.memory_space<hbm>> -> memref<800000xf32, #tpu.memory_space<hbm>>
    tpu.wait_dma2 semaphore(%arg10 : memref<!tpu.dma_semaphore, #tpu.memory_space<semaphore_mem>>) src(%dma_wait3A_122 : memref<800000xf32, #tpu.memory_space<hbm>>) dst(%arg6 : memref<800000xf32, #tpu.memory_space<vmem>>)
    %dma_start3A_123 = arith.constant 11200000 : i32
    %dma_start3A_124 = tpu.memref_slice %arg2[%dma_start3A_123] : memref<32000000xf32, #tpu.memory_space<hbm>> -> memref<800000xf32, #tpu.memory_space<hbm>>
    tpu.enqueue_dma source(%arg6 : memref<800000xf32, #tpu.memory_space<vmem>>) target(%dma_start3A_124 : memref<800000xf32, #tpu.memory_space<hbm>>) target_semaphore(%arg14 : memref<!tpu.dma_semaphore, #tpu.memory_space<semaphore_mem>>)
    %dma_wait3A_125 = arith.constant 11200000 : i32
    %dma_wait3A_126 = tpu.memref_slice %arg2[%dma_wait3A_125] : memref<32000000xf32, #tpu.memory_space<hbm>> -> memref<800000xf32, #tpu.memory_space<hbm>>
    tpu.wait_dma2 semaphore(%arg14 : memref<!tpu.dma_semaphore, #tpu.memory_space<semaphore_mem>>) src(%arg6 : memref<800000xf32, #tpu.memory_space<vmem>>) dst(%dma_wait3A_126 : memref<800000xf32, #tpu.memory_space<hbm>>)
    %dma_start3A_127 = arith.constant 14400000 : i32
    %dma_start3A_128 = tpu.memref_slice %arg1[%dma_start3A_127] : memref<32000000xf32, #tpu.memory_space<hbm>> -> memref<800000xf32, #tpu.memory_space<hbm>>
    tpu.enqueue_dma source(%dma_start3A_128 : memref<800000xf32, #tpu.memory_space<hbm>>) target(%arg6 : memref<800000xf32, #tpu.memory_space<vmem>>) target_semaphore(%arg10 : memref<!tpu.dma_semaphore, #tpu.memory_space<semaphore_mem>>)
    %dma_wait3A_129 = arith.constant 12000000 : i32
    %dma_wait3A_130 = tpu.memref_slice %arg1[%dma_wait3A_129] : memref<32000000xf32, #tpu.memory_space<hbm>> -> memref<800000xf32, #tpu.memory_space<hbm>>
    tpu.wait_dma2 semaphore(%arg11 : memref<!tpu.dma_semaphore, #tpu.memory_space<semaphore_mem>>) src(%dma_wait3A_130 : memref<800000xf32, #tpu.memory_space<hbm>>) dst(%arg7 : memref<800000xf32, #tpu.memory_space<vmem>>)
    %dma_start3A_131 = arith.constant 12000000 : i32
    %dma_start3A_132 = tpu.memref_slice %arg2[%dma_start3A_131] : memref<32000000xf32, #tpu.memory_space<hbm>> -> memref<800000xf32, #tpu.memory_space<hbm>>
    tpu.enqueue_dma source(%arg7 : memref<800000xf32, #tpu.memory_space<vmem>>) target(%dma_start3A_132 : memref<800000xf32, #tpu.memory_space<hbm>>) target_semaphore(%arg15 : memref<!tpu.dma_semaphore, #tpu.memory_space<semaphore_mem>>)
    %dma_wait3A_133 = arith.constant 12000000 : i32
    %dma_wait3A_134 = tpu.memref_slice %arg2[%dma_wait3A_133] : memref<32000000xf32, #tpu.memory_space<hbm>> -> memref<800000xf32, #tpu.memory_space<hbm>>
    tpu.wait_dma2 semaphore(%arg15 : memref<!tpu.dma_semaphore, #tpu.memory_space<semaphore_mem>>) src(%arg7 : memref<800000xf32, #tpu.memory_space<vmem>>) dst(%dma_wait3A_134 : memref<800000xf32, #tpu.memory_space<hbm>>)
    %dma_start3A_135 = arith.constant 15200000 : i32
    %dma_start3A_136 = tpu.memref_slice %arg1[%dma_start3A_135] : memref<32000000xf32, #tpu.memory_space<hbm>> -> memref<800000xf32, #tpu.memory_space<hbm>>
    tpu.enqueue_dma source(%dma_start3A_136 : memref<800000xf32, #tpu.memory_space<hbm>>) target(%arg7 : memref<800000xf32, #tpu.memory_space<vmem>>) target_semaphore(%arg11 : memref<!tpu.dma_semaphore, #tpu.memory_space<semaphore_mem>>)
    %dma_wait3A_137 = arith.constant 12800000 : i32
    %dma_wait3A_138 = tpu.memref_slice %arg1[%dma_wait3A_137] : memref<32000000xf32, #tpu.memory_space<hbm>> -> memref<800000xf32, #tpu.memory_space<hbm>>
    tpu.wait_dma2 semaphore(%arg8 : memref<!tpu.dma_semaphore, #tpu.memory_space<semaphore_mem>>) src(%dma_wait3A_138 : memref<800000xf32, #tpu.memory_space<hbm>>) dst(%arg4 : memref<800000xf32, #tpu.memory_space<vmem>>)
    %dma_start3A_139 = arith.constant 12800000 : i32
    %dma_start3A_140 = tpu.memref_slice %arg2[%dma_start3A_139] : memref<32000000xf32, #tpu.memory_space<hbm>> -> memref<800000xf32, #tpu.memory_space<hbm>>
    tpu.enqueue_dma source(%arg4 : memref<800000xf32, #tpu.memory_space<vmem>>) target(%dma_start3A_140 : memref<800000xf32, #tpu.memory_space<hbm>>) target_semaphore(%arg12 : memref<!tpu.dma_semaphore, #tpu.memory_space<semaphore_mem>>)
    %dma_wait3A_141 = arith.constant 12800000 : i32
    %dma_wait3A_142 = tpu.memref_slice %arg2[%dma_wait3A_141] : memref<32000000xf32, #tpu.memory_space<hbm>> -> memref<800000xf32, #tpu.memory_space<hbm>>
    tpu.wait_dma2 semaphore(%arg12 : memref<!tpu.dma_semaphore, #tpu.memory_space<semaphore_mem>>) src(%arg4 : memref<800000xf32, #tpu.memory_space<vmem>>) dst(%dma_wait3A_142 : memref<800000xf32, #tpu.memory_space<hbm>>)
    %dma_start3A_143 = arith.constant 16000000 : i32
    %dma_start3A_144 = tpu.memref_slice %arg1[%dma_start3A_143] : memref<32000000xf32, #tpu.memory_space<hbm>> -> memref<800000xf32, #tpu.memory_space<hbm>>
    tpu.enqueue_dma source(%dma_start3A_144 : memref<800000xf32, #tpu.memory_space<hbm>>) target(%arg4 : memref<800000xf32, #tpu.memory_space<vmem>>) target_semaphore(%arg8 : memref<!tpu.dma_semaphore, #tpu.memory_space<semaphore_mem>>)
    %dma_wait3A_145 = arith.constant 13600000 : i32
    %dma_wait3A_146 = tpu.memref_slice %arg1[%dma_wait3A_145] : memref<32000000xf32, #tpu.memory_space<hbm>> -> memref<800000xf32, #tpu.memory_space<hbm>>
    tpu.wait_dma2 semaphore(%arg9 : memref<!tpu.dma_semaphore, #tpu.memory_space<semaphore_mem>>) src(%dma_wait3A_146 : memref<800000xf32, #tpu.memory_space<hbm>>) dst(%arg5 : memref<800000xf32, #tpu.memory_space<vmem>>)
    %dma_start3A_147 = arith.constant 13600000 : i32
    %dma_start3A_148 = tpu.memref_slice %arg2[%dma_start3A_147] : memref<32000000xf32, #tpu.memory_space<hbm>> -> memref<800000xf32, #tpu.memory_space<hbm>>
    tpu.enqueue_dma source(%arg5 : memref<800000xf32, #tpu.memory_space<vmem>>) target(%dma_start3A_148 : memref<800000xf32, #tpu.memory_space<hbm>>) target_semaphore(%arg13 : memref<!tpu.dma_semaphore, #tpu.memory_space<semaphore_mem>>)
    %dma_wait3A_149 = arith.constant 13600000 : i32
    %dma_wait3A_150 = tpu.memref_slice %arg2[%dma_wait3A_149] : memref<32000000xf32, #tpu.memory_space<hbm>> -> memref<800000xf32, #tpu.memory_space<hbm>>
    tpu.wait_dma2 semaphore(%arg13 : memref<!tpu.dma_semaphore, #tpu.memory_space<semaphore_mem>>) src(%arg5 : memref<800000xf32, #tpu.memory_space<vmem>>) dst(%dma_wait3A_150 : memref<800000xf32, #tpu.memory_space<hbm>>)
    %dma_start3A_151 = arith.constant 16800000 : i32
    %dma_start3A_152 = tpu.memref_slice %arg1[%dma_start3A_151] : memref<32000000xf32, #tpu.memory_space<hbm>> -> memref<800000xf32, #tpu.memory_space<hbm>>
    tpu.enqueue_dma source(%dma_start3A_152 : memref<800000xf32, #tpu.memory_space<hbm>>) target(%arg5 : memref<800000xf32, #tpu.memory_space<vmem>>) target_semaphore(%arg9 : memref<!tpu.dma_semaphore, #tpu.memory_space<semaphore_mem>>)
    %dma_wait3A_153 = arith.constant 14400000 : i32
    %dma_wait3A_154 = tpu.memref_slice %arg1[%dma_wait3A_153] : memref<32000000xf32, #tpu.memory_space<hbm>> -> memref<800000xf32, #tpu.memory_space<hbm>>
    tpu.wait_dma2 semaphore(%arg10 : memref<!tpu.dma_semaphore, #tpu.memory_space<semaphore_mem>>) src(%dma_wait3A_154 : memref<800000xf32, #tpu.memory_space<hbm>>) dst(%arg6 : memref<800000xf32, #tpu.memory_space<vmem>>)
    %dma_start3A_155 = arith.constant 14400000 : i32
    %dma_start3A_156 = tpu.memref_slice %arg2[%dma_start3A_155] : memref<32000000xf32, #tpu.memory_space<hbm>> -> memref<800000xf32, #tpu.memory_space<hbm>>
    tpu.enqueue_dma source(%arg6 : memref<800000xf32, #tpu.memory_space<vmem>>) target(%dma_start3A_156 : memref<800000xf32, #tpu.memory_space<hbm>>) target_semaphore(%arg14 : memref<!tpu.dma_semaphore, #tpu.memory_space<semaphore_mem>>)
    %dma_wait3A_157 = arith.constant 14400000 : i32
    %dma_wait3A_158 = tpu.memref_slice %arg2[%dma_wait3A_157] : memref<32000000xf32, #tpu.memory_space<hbm>> -> memref<800000xf32, #tpu.memory_space<hbm>>
    tpu.wait_dma2 semaphore(%arg14 : memref<!tpu.dma_semaphore, #tpu.memory_space<semaphore_mem>>) src(%arg6 : memref<800000xf32, #tpu.memory_space<vmem>>) dst(%dma_wait3A_158 : memref<800000xf32, #tpu.memory_space<hbm>>)
    %dma_start3A_159 = arith.constant 17600000 : i32
    %dma_start3A_160 = tpu.memref_slice %arg1[%dma_start3A_159] : memref<32000000xf32, #tpu.memory_space<hbm>> -> memref<800000xf32, #tpu.memory_space<hbm>>
    tpu.enqueue_dma source(%dma_start3A_160 : memref<800000xf32, #tpu.memory_space<hbm>>) target(%arg6 : memref<800000xf32, #tpu.memory_space<vmem>>) target_semaphore(%arg10 : memref<!tpu.dma_semaphore, #tpu.memory_space<semaphore_mem>>)
    %dma_wait3A_161 = arith.constant 15200000 : i32
    %dma_wait3A_162 = tpu.memref_slice %arg1[%dma_wait3A_161] : memref<32000000xf32, #tpu.memory_space<hbm>> -> memref<800000xf32, #tpu.memory_space<hbm>>
    tpu.wait_dma2 semaphore(%arg11 : memref<!tpu.dma_semaphore, #tpu.memory_space<semaphore_mem>>) src(%dma_wait3A_162 : memref<800000xf32, #tpu.memory_space<hbm>>) dst(%arg7 : memref<800000xf32, #tpu.memory_space<vmem>>)
    %dma_start3A_163 = arith.constant 15200000 : i32
    %dma_start3A_164 = tpu.memref_slice %arg2[%dma_start3A_163] : memref<32000000xf32, #tpu.memory_space<hbm>> -> memref<800000xf32, #tpu.memory_space<hbm>>
    tpu.enqueue_dma source(%arg7 : memref<800000xf32, #tpu.memory_space<vmem>>) target(%dma_start3A_164 : memref<800000xf32, #tpu.memory_space<hbm>>) target_semaphore(%arg15 : memref<!tpu.dma_semaphore, #tpu.memory_space<semaphore_mem>>)
    %dma_wait3A_165 = arith.constant 15200000 : i32
    %dma_wait3A_166 = tpu.memref_slice %arg2[%dma_wait3A_165] : memref<32000000xf32, #tpu.memory_space<hbm>> -> memref<800000xf32, #tpu.memory_space<hbm>>
    tpu.wait_dma2 semaphore(%arg15 : memref<!tpu.dma_semaphore, #tpu.memory_space<semaphore_mem>>) src(%arg7 : memref<800000xf32, #tpu.memory_space<vmem>>) dst(%dma_wait3A_166 : memref<800000xf32, #tpu.memory_space<hbm>>)
    %dma_start3A_167 = arith.constant 18400000 : i32
    %dma_start3A_168 = tpu.memref_slice %arg1[%dma_start3A_167] : memref<32000000xf32, #tpu.memory_space<hbm>> -> memref<800000xf32, #tpu.memory_space<hbm>>
    tpu.enqueue_dma source(%dma_start3A_168 : memref<800000xf32, #tpu.memory_space<hbm>>) target(%arg7 : memref<800000xf32, #tpu.memory_space<vmem>>) target_semaphore(%arg11 : memref<!tpu.dma_semaphore, #tpu.memory_space<semaphore_mem>>)
    %dma_wait3A_169 = arith.constant 16000000 : i32
    %dma_wait3A_170 = tpu.memref_slice %arg1[%dma_wait3A_169] : memref<32000000xf32, #tpu.memory_space<hbm>> -> memref<800000xf32, #tpu.memory_space<hbm>>
    tpu.wait_dma2 semaphore(%arg8 : memref<!tpu.dma_semaphore, #tpu.memory_space<semaphore_mem>>) src(%dma_wait3A_170 : memref<800000xf32, #tpu.memory_space<hbm>>) dst(%arg4 : memref<800000xf32, #tpu.memory_space<vmem>>)
    %dma_start3A_171 = arith.constant 16000000 : i32
    %dma_start3A_172 = tpu.memref_slice %arg2[%dma_start3A_171] : memref<32000000xf32, #tpu.memory_space<hbm>> -> memref<800000xf32, #tpu.memory_space<hbm>>
    tpu.enqueue_dma source(%arg4 : memref<800000xf32, #tpu.memory_space<vmem>>) target(%dma_start3A_172 : memref<800000xf32, #tpu.memory_space<hbm>>) target_semaphore(%arg12 : memref<!tpu.dma_semaphore, #tpu.memory_space<semaphore_mem>>)
    %dma_wait3A_173 = arith.constant 16000000 : i32
    %dma_wait3A_174 = tpu.memref_slice %arg2[%dma_wait3A_173] : memref<32000000xf32, #tpu.memory_space<hbm>> -> memref<800000xf32, #tpu.memory_space<hbm>>
    tpu.wait_dma2 semaphore(%arg12 : memref<!tpu.dma_semaphore, #tpu.memory_space<semaphore_mem>>) src(%arg4 : memref<800000xf32, #tpu.memory_space<vmem>>) dst(%dma_wait3A_174 : memref<800000xf32, #tpu.memory_space<hbm>>)
    %dma_start3A_175 = arith.constant 19200000 : i32
    %dma_start3A_176 = tpu.memref_slice %arg1[%dma_start3A_175] : memref<32000000xf32, #tpu.memory_space<hbm>> -> memref<800000xf32, #tpu.memory_space<hbm>>
    tpu.enqueue_dma source(%dma_start3A_176 : memref<800000xf32, #tpu.memory_space<hbm>>) target(%arg4 : memref<800000xf32, #tpu.memory_space<vmem>>) target_semaphore(%arg8 : memref<!tpu.dma_semaphore, #tpu.memory_space<semaphore_mem>>)
    %dma_wait3A_177 = arith.constant 16800000 : i32
    %dma_wait3A_178 = tpu.memref_slice %arg1[%dma_wait3A_177] : memref<32000000xf32, #tpu.memory_space<hbm>> -> memref<800000xf32, #tpu.memory_space<hbm>>
    tpu.wait_dma2 semaphore(%arg9 : memref<!tpu.dma_semaphore, #tpu.memory_space<semaphore_mem>>) src(%dma_wait3A_178 : memref<800000xf32, #tpu.memory_space<hbm>>) dst(%arg5 : memref<800000xf32, #tpu.memory_space<vmem>>)
    %dma_start3A_179 = arith.constant 16800000 : i32
    %dma_start3A_180 = tpu.memref_slice %arg2[%dma_start3A_179] : memref<32000000xf32, #tpu.memory_space<hbm>> -> memref<800000xf32, #tpu.memory_space<hbm>>
    tpu.enqueue_dma source(%arg5 : memref<800000xf32, #tpu.memory_space<vmem>>) target(%dma_start3A_180 : memref<800000xf32, #tpu.memory_space<hbm>>) target_semaphore(%arg13 : memref<!tpu.dma_semaphore, #tpu.memory_space<semaphore_mem>>)
    %dma_wait3A_181 = arith.constant 16800000 : i32
    %dma_wait3A_182 = tpu.memref_slice %arg2[%dma_wait3A_181] : memref<32000000xf32, #tpu.memory_space<hbm>> -> memref<800000xf32, #tpu.memory_space<hbm>>
    tpu.wait_dma2 semaphore(%arg13 : memref<!tpu.dma_semaphore, #tpu.memory_space<semaphore_mem>>) src(%arg5 : memref<800000xf32, #tpu.memory_space<vmem>>) dst(%dma_wait3A_182 : memref<800000xf32, #tpu.memory_space<hbm>>)
    %dma_start3A_183 = arith.constant 20000000 : i32
    %dma_start3A_184 = tpu.memref_slice %arg1[%dma_start3A_183] : memref<32000000xf32, #tpu.memory_space<hbm>> -> memref<800000xf32, #tpu.memory_space<hbm>>
    tpu.enqueue_dma source(%dma_start3A_184 : memref<800000xf32, #tpu.memory_space<hbm>>) target(%arg5 : memref<800000xf32, #tpu.memory_space<vmem>>) target_semaphore(%arg9 : memref<!tpu.dma_semaphore, #tpu.memory_space<semaphore_mem>>)
    %dma_wait3A_185 = arith.constant 17600000 : i32
    %dma_wait3A_186 = tpu.memref_slice %arg1[%dma_wait3A_185] : memref<32000000xf32, #tpu.memory_space<hbm>> -> memref<800000xf32, #tpu.memory_space<hbm>>
    tpu.wait_dma2 semaphore(%arg10 : memref<!tpu.dma_semaphore, #tpu.memory_space<semaphore_mem>>) src(%dma_wait3A_186 : memref<800000xf32, #tpu.memory_space<hbm>>) dst(%arg6 : memref<800000xf32, #tpu.memory_space<vmem>>)
    %dma_start3A_187 = arith.constant 17600000 : i32
    %dma_start3A_188 = tpu.memref_slice %arg2[%dma_start3A_187] : memref<32000000xf32, #tpu.memory_space<hbm>> -> memref<800000xf32, #tpu.memory_space<hbm>>
    tpu.enqueue_dma source(%arg6 : memref<800000xf32, #tpu.memory_space<vmem>>) target(%dma_start3A_188 : memref<800000xf32, #tpu.memory_space<hbm>>) target_semaphore(%arg14 : memref<!tpu.dma_semaphore, #tpu.memory_space<semaphore_mem>>)
    %dma_wait3A_189 = arith.constant 17600000 : i32
    %dma_wait3A_190 = tpu.memref_slice %arg2[%dma_wait3A_189] : memref<32000000xf32, #tpu.memory_space<hbm>> -> memref<800000xf32, #tpu.memory_space<hbm>>
    tpu.wait_dma2 semaphore(%arg14 : memref<!tpu.dma_semaphore, #tpu.memory_space<semaphore_mem>>) src(%arg6 : memref<800000xf32, #tpu.memory_space<vmem>>) dst(%dma_wait3A_190 : memref<800000xf32, #tpu.memory_space<hbm>>)
    %dma_start3A_191 = arith.constant 20800000 : i32
    %dma_start3A_192 = tpu.memref_slice %arg1[%dma_start3A_191] : memref<32000000xf32, #tpu.memory_space<hbm>> -> memref<800000xf32, #tpu.memory_space<hbm>>
    tpu.enqueue_dma source(%dma_start3A_192 : memref<800000xf32, #tpu.memory_space<hbm>>) target(%arg6 : memref<800000xf32, #tpu.memory_space<vmem>>) target_semaphore(%arg10 : memref<!tpu.dma_semaphore, #tpu.memory_space<semaphore_mem>>)
    %dma_wait3A_193 = arith.constant 18400000 : i32
    %dma_wait3A_194 = tpu.memref_slice %arg1[%dma_wait3A_193] : memref<32000000xf32, #tpu.memory_space<hbm>> -> memref<800000xf32, #tpu.memory_space<hbm>>
    tpu.wait_dma2 semaphore(%arg11 : memref<!tpu.dma_semaphore, #tpu.memory_space<semaphore_mem>>) src(%dma_wait3A_194 : memref<800000xf32, #tpu.memory_space<hbm>>) dst(%arg7 : memref<800000xf32, #tpu.memory_space<vmem>>)
    %dma_start3A_195 = arith.constant 18400000 : i32
    %dma_start3A_196 = tpu.memref_slice %arg2[%dma_start3A_195] : memref<32000000xf32, #tpu.memory_space<hbm>> -> memref<800000xf32, #tpu.memory_space<hbm>>
    tpu.enqueue_dma source(%arg7 : memref<800000xf32, #tpu.memory_space<vmem>>) target(%dma_start3A_196 : memref<800000xf32, #tpu.memory_space<hbm>>) target_semaphore(%arg15 : memref<!tpu.dma_semaphore, #tpu.memory_space<semaphore_mem>>)
    %dma_wait3A_197 = arith.constant 18400000 : i32
    %dma_wait3A_198 = tpu.memref_slice %arg2[%dma_wait3A_197] : memref<32000000xf32, #tpu.memory_space<hbm>> -> memref<800000xf32, #tpu.memory_space<hbm>>
    tpu.wait_dma2 semaphore(%arg15 : memref<!tpu.dma_semaphore, #tpu.memory_space<semaphore_mem>>) src(%arg7 : memref<800000xf32, #tpu.memory_space<vmem>>) dst(%dma_wait3A_198 : memref<800000xf32, #tpu.memory_space<hbm>>)
    %dma_start3A_199 = arith.constant 21600000 : i32
    %dma_start3A_200 = tpu.memref_slice %arg1[%dma_start3A_199] : memref<32000000xf32, #tpu.memory_space<hbm>> -> memref<800000xf32, #tpu.memory_space<hbm>>
    tpu.enqueue_dma source(%dma_start3A_200 : memref<800000xf32, #tpu.memory_space<hbm>>) target(%arg7 : memref<800000xf32, #tpu.memory_space<vmem>>) target_semaphore(%arg11 : memref<!tpu.dma_semaphore, #tpu.memory_space<semaphore_mem>>)
    %dma_wait3A_201 = arith.constant 19200000 : i32
    %dma_wait3A_202 = tpu.memref_slice %arg1[%dma_wait3A_201] : memref<32000000xf32, #tpu.memory_space<hbm>> -> memref<800000xf32, #tpu.memory_space<hbm>>
    tpu.wait_dma2 semaphore(%arg8 : memref<!tpu.dma_semaphore, #tpu.memory_space<semaphore_mem>>) src(%dma_wait3A_202 : memref<800000xf32, #tpu.memory_space<hbm>>) dst(%arg4 : memref<800000xf32, #tpu.memory_space<vmem>>)
    %dma_start3A_203 = arith.constant 19200000 : i32
    %dma_start3A_204 = tpu.memref_slice %arg2[%dma_start3A_203] : memref<32000000xf32, #tpu.memory_space<hbm>> -> memref<800000xf32, #tpu.memory_space<hbm>>
    tpu.enqueue_dma source(%arg4 : memref<800000xf32, #tpu.memory_space<vmem>>) target(%dma_start3A_204 : memref<800000xf32, #tpu.memory_space<hbm>>) target_semaphore(%arg12 : memref<!tpu.dma_semaphore, #tpu.memory_space<semaphore_mem>>)
    %dma_wait3A_205 = arith.constant 19200000 : i32
    %dma_wait3A_206 = tpu.memref_slice %arg2[%dma_wait3A_205] : memref<32000000xf32, #tpu.memory_space<hbm>> -> memref<800000xf32, #tpu.memory_space<hbm>>
    tpu.wait_dma2 semaphore(%arg12 : memref<!tpu.dma_semaphore, #tpu.memory_space<semaphore_mem>>) src(%arg4 : memref<800000xf32, #tpu.memory_space<vmem>>) dst(%dma_wait3A_206 : memref<800000xf32, #tpu.memory_space<hbm>>)
    %dma_start3A_207 = arith.constant 22400000 : i32
    %dma_start3A_208 = tpu.memref_slice %arg1[%dma_start3A_207] : memref<32000000xf32, #tpu.memory_space<hbm>> -> memref<800000xf32, #tpu.memory_space<hbm>>
    tpu.enqueue_dma source(%dma_start3A_208 : memref<800000xf32, #tpu.memory_space<hbm>>) target(%arg4 : memref<800000xf32, #tpu.memory_space<vmem>>) target_semaphore(%arg8 : memref<!tpu.dma_semaphore, #tpu.memory_space<semaphore_mem>>)
    %dma_wait3A_209 = arith.constant 20000000 : i32
    %dma_wait3A_210 = tpu.memref_slice %arg1[%dma_wait3A_209] : memref<32000000xf32, #tpu.memory_space<hbm>> -> memref<800000xf32, #tpu.memory_space<hbm>>
    tpu.wait_dma2 semaphore(%arg9 : memref<!tpu.dma_semaphore, #tpu.memory_space<semaphore_mem>>) src(%dma_wait3A_210 : memref<800000xf32, #tpu.memory_space<hbm>>) dst(%arg5 : memref<800000xf32, #tpu.memory_space<vmem>>)
    %dma_start3A_211 = arith.constant 20000000 : i32
    %dma_start3A_212 = tpu.memref_slice %arg2[%dma_start3A_211] : memref<32000000xf32, #tpu.memory_space<hbm>> -> memref<800000xf32, #tpu.memory_space<hbm>>
    tpu.enqueue_dma source(%arg5 : memref<800000xf32, #tpu.memory_space<vmem>>) target(%dma_start3A_212 : memref<800000xf32, #tpu.memory_space<hbm>>) target_semaphore(%arg13 : memref<!tpu.dma_semaphore, #tpu.memory_space<semaphore_mem>>)
    %dma_wait3A_213 = arith.constant 20000000 : i32
    %dma_wait3A_214 = tpu.memref_slice %arg2[%dma_wait3A_213] : memref<32000000xf32, #tpu.memory_space<hbm>> -> memref<800000xf32, #tpu.memory_space<hbm>>
    tpu.wait_dma2 semaphore(%arg13 : memref<!tpu.dma_semaphore, #tpu.memory_space<semaphore_mem>>) src(%arg5 : memref<800000xf32, #tpu.memory_space<vmem>>) dst(%dma_wait3A_214 : memref<800000xf32, #tpu.memory_space<hbm>>)
    %dma_start3A_215 = arith.constant 23200000 : i32
    %dma_start3A_216 = tpu.memref_slice %arg1[%dma_start3A_215] : memref<32000000xf32, #tpu.memory_space<hbm>> -> memref<800000xf32, #tpu.memory_space<hbm>>
    tpu.enqueue_dma source(%dma_start3A_216 : memref<800000xf32, #tpu.memory_space<hbm>>) target(%arg5 : memref<800000xf32, #tpu.memory_space<vmem>>) target_semaphore(%arg9 : memref<!tpu.dma_semaphore, #tpu.memory_space<semaphore_mem>>)
    %dma_wait3A_217 = arith.constant 20800000 : i32
    %dma_wait3A_218 = tpu.memref_slice %arg1[%dma_wait3A_217] : memref<32000000xf32, #tpu.memory_space<hbm>> -> memref<800000xf32, #tpu.memory_space<hbm>>
    tpu.wait_dma2 semaphore(%arg10 : memref<!tpu.dma_semaphore, #tpu.memory_space<semaphore_mem>>) src(%dma_wait3A_218 : memref<800000xf32, #tpu.memory_space<hbm>>) dst(%arg6 : memref<800000xf32, #tpu.memory_space<vmem>>)
    %dma_start3A_219 = arith.constant 20800000 : i32
    %dma_start3A_220 = tpu.memref_slice %arg2[%dma_start3A_219] : memref<32000000xf32, #tpu.memory_space<hbm>> -> memref<800000xf32, #tpu.memory_space<hbm>>
    tpu.enqueue_dma source(%arg6 : memref<800000xf32, #tpu.memory_space<vmem>>) target(%dma_start3A_220 : memref<800000xf32, #tpu.memory_space<hbm>>) target_semaphore(%arg14 : memref<!tpu.dma_semaphore, #tpu.memory_space<semaphore_mem>>)
    %dma_wait3A_221 = arith.constant 20800000 : i32
    %dma_wait3A_222 = tpu.memref_slice %arg2[%dma_wait3A_221] : memref<32000000xf32, #tpu.memory_space<hbm>> -> memref<800000xf32, #tpu.memory_space<hbm>>
    tpu.wait_dma2 semaphore(%arg14 : memref<!tpu.dma_semaphore, #tpu.memory_space<semaphore_mem>>) src(%arg6 : memref<800000xf32, #tpu.memory_space<vmem>>) dst(%dma_wait3A_222 : memref<800000xf32, #tpu.memory_space<hbm>>)
    %dma_start3A_223 = arith.constant 24000000 : i32
    %dma_start3A_224 = tpu.memref_slice %arg1[%dma_start3A_223] : memref<32000000xf32, #tpu.memory_space<hbm>> -> memref<800000xf32, #tpu.memory_space<hbm>>
    tpu.enqueue_dma source(%dma_start3A_224 : memref<800000xf32, #tpu.memory_space<hbm>>) target(%arg6 : memref<800000xf32, #tpu.memory_space<vmem>>) target_semaphore(%arg10 : memref<!tpu.dma_semaphore, #tpu.memory_space<semaphore_mem>>)
    %dma_wait3A_225 = arith.constant 21600000 : i32
    %dma_wait3A_226 = tpu.memref_slice %arg1[%dma_wait3A_225] : memref<32000000xf32, #tpu.memory_space<hbm>> -> memref<800000xf32, #tpu.memory_space<hbm>>
    tpu.wait_dma2 semaphore(%arg11 : memref<!tpu.dma_semaphore, #tpu.memory_space<semaphore_mem>>) src(%dma_wait3A_226 : memref<800000xf32, #tpu.memory_space<hbm>>) dst(%arg7 : memref<800000xf32, #tpu.memory_space<vmem>>)
    %dma_start3A_227 = arith.constant 21600000 : i32
    %dma_start3A_228 = tpu.memref_slice %arg2[%dma_start3A_227] : memref<32000000xf32, #tpu.memory_space<hbm>> -> memref<800000xf32, #tpu.memory_space<hbm>>
    tpu.enqueue_dma source(%arg7 : memref<800000xf32, #tpu.memory_space<vmem>>) target(%dma_start3A_228 : memref<800000xf32, #tpu.memory_space<hbm>>) target_semaphore(%arg15 : memref<!tpu.dma_semaphore, #tpu.memory_space<semaphore_mem>>)
    %dma_wait3A_229 = arith.constant 21600000 : i32
    %dma_wait3A_230 = tpu.memref_slice %arg2[%dma_wait3A_229] : memref<32000000xf32, #tpu.memory_space<hbm>> -> memref<800000xf32, #tpu.memory_space<hbm>>
    tpu.wait_dma2 semaphore(%arg15 : memref<!tpu.dma_semaphore, #tpu.memory_space<semaphore_mem>>) src(%arg7 : memref<800000xf32, #tpu.memory_space<vmem>>) dst(%dma_wait3A_230 : memref<800000xf32, #tpu.memory_space<hbm>>)
    %dma_start3A_231 = arith.constant 24800000 : i32
    %dma_start3A_232 = tpu.memref_slice %arg1[%dma_start3A_231] : memref<32000000xf32, #tpu.memory_space<hbm>> -> memref<800000xf32, #tpu.memory_space<hbm>>
    tpu.enqueue_dma source(%dma_start3A_232 : memref<800000xf32, #tpu.memory_space<hbm>>) target(%arg7 : memref<800000xf32, #tpu.memory_space<vmem>>) target_semaphore(%arg11 : memref<!tpu.dma_semaphore, #tpu.memory_space<semaphore_mem>>)
    %dma_wait3A_233 = arith.constant 22400000 : i32
    %dma_wait3A_234 = tpu.memref_slice %arg1[%dma_wait3A_233] : memref<32000000xf32, #tpu.memory_space<hbm>> -> memref<800000xf32, #tpu.memory_space<hbm>>
    tpu.wait_dma2 semaphore(%arg8 : memref<!tpu.dma_semaphore, #tpu.memory_space<semaphore_mem>>) src(%dma_wait3A_234 : memref<800000xf32, #tpu.memory_space<hbm>>) dst(%arg4 : memref<800000xf32, #tpu.memory_space<vmem>>)
    %dma_start3A_235 = arith.constant 22400000 : i32
    %dma_start3A_236 = tpu.memref_slice %arg2[%dma_start3A_235] : memref<32000000xf32, #tpu.memory_space<hbm>> -> memref<800000xf32, #tpu.memory_space<hbm>>
    tpu.enqueue_dma source(%arg4 : memref<800000xf32, #tpu.memory_space<vmem>>) target(%dma_start3A_236 : memref<800000xf32, #tpu.memory_space<hbm>>) target_semaphore(%arg12 : memref<!tpu.dma_semaphore, #tpu.memory_space<semaphore_mem>>)
    %dma_wait3A_237 = arith.constant 22400000 : i32
    %dma_wait3A_238 = tpu.memref_slice %arg2[%dma_wait3A_237] : memref<32000000xf32, #tpu.memory_space<hbm>> -> memref<800000xf32, #tpu.memory_space<hbm>>
    tpu.wait_dma2 semaphore(%arg12 : memref<!tpu.dma_semaphore, #tpu.memory_space<semaphore_mem>>) src(%arg4 : memref<800000xf32, #tpu.memory_space<vmem>>) dst(%dma_wait3A_238 : memref<800000xf32, #tpu.memory_space<hbm>>)
    %dma_start3A_239 = arith.constant 25600000 : i32
    %dma_start3A_240 = tpu.memref_slice %arg1[%dma_start3A_239] : memref<32000000xf32, #tpu.memory_space<hbm>> -> memref<800000xf32, #tpu.memory_space<hbm>>
    tpu.enqueue_dma source(%dma_start3A_240 : memref<800000xf32, #tpu.memory_space<hbm>>) target(%arg4 : memref<800000xf32, #tpu.memory_space<vmem>>) target_semaphore(%arg8 : memref<!tpu.dma_semaphore, #tpu.memory_space<semaphore_mem>>)
    %dma_wait3A_241 = arith.constant 23200000 : i32
    %dma_wait3A_242 = tpu.memref_slice %arg1[%dma_wait3A_241] : memref<32000000xf32, #tpu.memory_space<hbm>> -> memref<800000xf32, #tpu.memory_space<hbm>>
    tpu.wait_dma2 semaphore(%arg9 : memref<!tpu.dma_semaphore, #tpu.memory_space<semaphore_mem>>) src(%dma_wait3A_242 : memref<800000xf32, #tpu.memory_space<hbm>>) dst(%arg5 : memref<800000xf32, #tpu.memory_space<vmem>>)
    %dma_start3A_243 = arith.constant 23200000 : i32
    %dma_start3A_244 = tpu.memref_slice %arg2[%dma_start3A_243] : memref<32000000xf32, #tpu.memory_space<hbm>> -> memref<800000xf32, #tpu.memory_space<hbm>>
    tpu.enqueue_dma source(%arg5 : memref<800000xf32, #tpu.memory_space<vmem>>) target(%dma_start3A_244 : memref<800000xf32, #tpu.memory_space<hbm>>) target_semaphore(%arg13 : memref<!tpu.dma_semaphore, #tpu.memory_space<semaphore_mem>>)
    %dma_wait3A_245 = arith.constant 23200000 : i32
    %dma_wait3A_246 = tpu.memref_slice %arg2[%dma_wait3A_245] : memref<32000000xf32, #tpu.memory_space<hbm>> -> memref<800000xf32, #tpu.memory_space<hbm>>
    tpu.wait_dma2 semaphore(%arg13 : memref<!tpu.dma_semaphore, #tpu.memory_space<semaphore_mem>>) src(%arg5 : memref<800000xf32, #tpu.memory_space<vmem>>) dst(%dma_wait3A_246 : memref<800000xf32, #tpu.memory_space<hbm>>)
    %dma_start3A_247 = arith.constant 26400000 : i32
    %dma_start3A_248 = tpu.memref_slice %arg1[%dma_start3A_247] : memref<32000000xf32, #tpu.memory_space<hbm>> -> memref<800000xf32, #tpu.memory_space<hbm>>
    tpu.enqueue_dma source(%dma_start3A_248 : memref<800000xf32, #tpu.memory_space<hbm>>) target(%arg5 : memref<800000xf32, #tpu.memory_space<vmem>>) target_semaphore(%arg9 : memref<!tpu.dma_semaphore, #tpu.memory_space<semaphore_mem>>)
    %dma_wait3A_249 = arith.constant 24000000 : i32
    %dma_wait3A_250 = tpu.memref_slice %arg1[%dma_wait3A_249] : memref<32000000xf32, #tpu.memory_space<hbm>> -> memref<800000xf32, #tpu.memory_space<hbm>>
    tpu.wait_dma2 semaphore(%arg10 : memref<!tpu.dma_semaphore, #tpu.memory_space<semaphore_mem>>) src(%dma_wait3A_250 : memref<800000xf32, #tpu.memory_space<hbm>>) dst(%arg6 : memref<800000xf32, #tpu.memory_space<vmem>>)
    %dma_start3A_251 = arith.constant 24000000 : i32
    %dma_start3A_252 = tpu.memref_slice %arg2[%dma_start3A_251] : memref<32000000xf32, #tpu.memory_space<hbm>> -> memref<800000xf32, #tpu.memory_space<hbm>>
    tpu.enqueue_dma source(%arg6 : memref<800000xf32, #tpu.memory_space<vmem>>) target(%dma_start3A_252 : memref<800000xf32, #tpu.memory_space<hbm>>) target_semaphore(%arg14 : memref<!tpu.dma_semaphore, #tpu.memory_space<semaphore_mem>>)
    %dma_wait3A_253 = arith.constant 24000000 : i32
    %dma_wait3A_254 = tpu.memref_slice %arg2[%dma_wait3A_253] : memref<32000000xf32, #tpu.memory_space<hbm>> -> memref<800000xf32, #tpu.memory_space<hbm>>
    tpu.wait_dma2 semaphore(%arg14 : memref<!tpu.dma_semaphore, #tpu.memory_space<semaphore_mem>>) src(%arg6 : memref<800000xf32, #tpu.memory_space<vmem>>) dst(%dma_wait3A_254 : memref<800000xf32, #tpu.memory_space<hbm>>)
    %dma_start3A_255 = arith.constant 27200000 : i32
    %dma_start3A_256 = tpu.memref_slice %arg1[%dma_start3A_255] : memref<32000000xf32, #tpu.memory_space<hbm>> -> memref<800000xf32, #tpu.memory_space<hbm>>
    tpu.enqueue_dma source(%dma_start3A_256 : memref<800000xf32, #tpu.memory_space<hbm>>) target(%arg6 : memref<800000xf32, #tpu.memory_space<vmem>>) target_semaphore(%arg10 : memref<!tpu.dma_semaphore, #tpu.memory_space<semaphore_mem>>)
    %dma_wait3A_257 = arith.constant 24800000 : i32
    %dma_wait3A_258 = tpu.memref_slice %arg1[%dma_wait3A_257] : memref<32000000xf32, #tpu.memory_space<hbm>> -> memref<800000xf32, #tpu.memory_space<hbm>>
    tpu.wait_dma2 semaphore(%arg11 : memref<!tpu.dma_semaphore, #tpu.memory_space<semaphore_mem>>) src(%dma_wait3A_258 : memref<800000xf32, #tpu.memory_space<hbm>>) dst(%arg7 : memref<800000xf32, #tpu.memory_space<vmem>>)
    %dma_start3A_259 = arith.constant 24800000 : i32
    %dma_start3A_260 = tpu.memref_slice %arg2[%dma_start3A_259] : memref<32000000xf32, #tpu.memory_space<hbm>> -> memref<800000xf32, #tpu.memory_space<hbm>>
    tpu.enqueue_dma source(%arg7 : memref<800000xf32, #tpu.memory_space<vmem>>) target(%dma_start3A_260 : memref<800000xf32, #tpu.memory_space<hbm>>) target_semaphore(%arg15 : memref<!tpu.dma_semaphore, #tpu.memory_space<semaphore_mem>>)
    %dma_wait3A_261 = arith.constant 24800000 : i32
    %dma_wait3A_262 = tpu.memref_slice %arg2[%dma_wait3A_261] : memref<32000000xf32, #tpu.memory_space<hbm>> -> memref<800000xf32, #tpu.memory_space<hbm>>
    tpu.wait_dma2 semaphore(%arg15 : memref<!tpu.dma_semaphore, #tpu.memory_space<semaphore_mem>>) src(%arg7 : memref<800000xf32, #tpu.memory_space<vmem>>) dst(%dma_wait3A_262 : memref<800000xf32, #tpu.memory_space<hbm>>)
    %dma_start3A_263 = arith.constant 28000000 : i32
    %dma_start3A_264 = tpu.memref_slice %arg1[%dma_start3A_263] : memref<32000000xf32, #tpu.memory_space<hbm>> -> memref<800000xf32, #tpu.memory_space<hbm>>
    tpu.enqueue_dma source(%dma_start3A_264 : memref<800000xf32, #tpu.memory_space<hbm>>) target(%arg7 : memref<800000xf32, #tpu.memory_space<vmem>>) target_semaphore(%arg11 : memref<!tpu.dma_semaphore, #tpu.memory_space<semaphore_mem>>)
    %dma_wait3A_265 = arith.constant 25600000 : i32
    %dma_wait3A_266 = tpu.memref_slice %arg1[%dma_wait3A_265] : memref<32000000xf32, #tpu.memory_space<hbm>> -> memref<800000xf32, #tpu.memory_space<hbm>>
    tpu.wait_dma2 semaphore(%arg8 : memref<!tpu.dma_semaphore, #tpu.memory_space<semaphore_mem>>) src(%dma_wait3A_266 : memref<800000xf32, #tpu.memory_space<hbm>>) dst(%arg4 : memref<800000xf32, #tpu.memory_space<vmem>>)
    %dma_start3A_267 = arith.constant 25600000 : i32
    %dma_start3A_268 = tpu.memref_slice %arg2[%dma_start3A_267] : memref<32000000xf32, #tpu.memory_space<hbm>> -> memref<800000xf32, #tpu.memory_space<hbm>>
    tpu.enqueue_dma source(%arg4 : memref<800000xf32, #tpu.memory_space<vmem>>) target(%dma_start3A_268 : memref<800000xf32, #tpu.memory_space<hbm>>) target_semaphore(%arg12 : memref<!tpu.dma_semaphore, #tpu.memory_space<semaphore_mem>>)
    %dma_wait3A_269 = arith.constant 25600000 : i32
    %dma_wait3A_270 = tpu.memref_slice %arg2[%dma_wait3A_269] : memref<32000000xf32, #tpu.memory_space<hbm>> -> memref<800000xf32, #tpu.memory_space<hbm>>
    tpu.wait_dma2 semaphore(%arg12 : memref<!tpu.dma_semaphore, #tpu.memory_space<semaphore_mem>>) src(%arg4 : memref<800000xf32, #tpu.memory_space<vmem>>) dst(%dma_wait3A_270 : memref<800000xf32, #tpu.memory_space<hbm>>)
    %dma_start3A_271 = arith.constant 28800000 : i32
    %dma_start3A_272 = tpu.memref_slice %arg1[%dma_start3A_271] : memref<32000000xf32, #tpu.memory_space<hbm>> -> memref<800000xf32, #tpu.memory_space<hbm>>
    tpu.enqueue_dma source(%dma_start3A_272 : memref<800000xf32, #tpu.memory_space<hbm>>) target(%arg4 : memref<800000xf32, #tpu.memory_space<vmem>>) target_semaphore(%arg8 : memref<!tpu.dma_semaphore, #tpu.memory_space<semaphore_mem>>)
    %dma_wait3A_273 = arith.constant 26400000 : i32
    %dma_wait3A_274 = tpu.memref_slice %arg1[%dma_wait3A_273] : memref<32000000xf32, #tpu.memory_space<hbm>> -> memref<800000xf32, #tpu.memory_space<hbm>>
    tpu.wait_dma2 semaphore(%arg9 : memref<!tpu.dma_semaphore, #tpu.memory_space<semaphore_mem>>) src(%dma_wait3A_274 : memref<800000xf32, #tpu.memory_space<hbm>>) dst(%arg5 : memref<800000xf32, #tpu.memory_space<vmem>>)
    %dma_start3A_275 = arith.constant 26400000 : i32
    %dma_start3A_276 = tpu.memref_slice %arg2[%dma_start3A_275] : memref<32000000xf32, #tpu.memory_space<hbm>> -> memref<800000xf32, #tpu.memory_space<hbm>>
    tpu.enqueue_dma source(%arg5 : memref<800000xf32, #tpu.memory_space<vmem>>) target(%dma_start3A_276 : memref<800000xf32, #tpu.memory_space<hbm>>) target_semaphore(%arg13 : memref<!tpu.dma_semaphore, #tpu.memory_space<semaphore_mem>>)
    %dma_wait3A_277 = arith.constant 26400000 : i32
    %dma_wait3A_278 = tpu.memref_slice %arg2[%dma_wait3A_277] : memref<32000000xf32, #tpu.memory_space<hbm>> -> memref<800000xf32, #tpu.memory_space<hbm>>
    tpu.wait_dma2 semaphore(%arg13 : memref<!tpu.dma_semaphore, #tpu.memory_space<semaphore_mem>>) src(%arg5 : memref<800000xf32, #tpu.memory_space<vmem>>) dst(%dma_wait3A_278 : memref<800000xf32, #tpu.memory_space<hbm>>)
    %dma_start3A_279 = arith.constant 29600000 : i32
    %dma_start3A_280 = tpu.memref_slice %arg1[%dma_start3A_279] : memref<32000000xf32, #tpu.memory_space<hbm>> -> memref<800000xf32, #tpu.memory_space<hbm>>
    tpu.enqueue_dma source(%dma_start3A_280 : memref<800000xf32, #tpu.memory_space<hbm>>) target(%arg5 : memref<800000xf32, #tpu.memory_space<vmem>>) target_semaphore(%arg9 : memref<!tpu.dma_semaphore, #tpu.memory_space<semaphore_mem>>)
    %dma_wait3A_281 = arith.constant 27200000 : i32
    %dma_wait3A_282 = tpu.memref_slice %arg1[%dma_wait3A_281] : memref<32000000xf32, #tpu.memory_space<hbm>> -> memref<800000xf32, #tpu.memory_space<hbm>>
    tpu.wait_dma2 semaphore(%arg10 : memref<!tpu.dma_semaphore, #tpu.memory_space<semaphore_mem>>) src(%dma_wait3A_282 : memref<800000xf32, #tpu.memory_space<hbm>>) dst(%arg6 : memref<800000xf32, #tpu.memory_space<vmem>>)
    %dma_start3A_283 = arith.constant 27200000 : i32
    %dma_start3A_284 = tpu.memref_slice %arg2[%dma_start3A_283] : memref<32000000xf32, #tpu.memory_space<hbm>> -> memref<800000xf32, #tpu.memory_space<hbm>>
    tpu.enqueue_dma source(%arg6 : memref<800000xf32, #tpu.memory_space<vmem>>) target(%dma_start3A_284 : memref<800000xf32, #tpu.memory_space<hbm>>) target_semaphore(%arg14 : memref<!tpu.dma_semaphore, #tpu.memory_space<semaphore_mem>>)
    %dma_wait3A_285 = arith.constant 27200000 : i32
    %dma_wait3A_286 = tpu.memref_slice %arg2[%dma_wait3A_285] : memref<32000000xf32, #tpu.memory_space<hbm>> -> memref<800000xf32, #tpu.memory_space<hbm>>
    tpu.wait_dma2 semaphore(%arg14 : memref<!tpu.dma_semaphore, #tpu.memory_space<semaphore_mem>>) src(%arg6 : memref<800000xf32, #tpu.memory_space<vmem>>) dst(%dma_wait3A_286 : memref<800000xf32, #tpu.memory_space<hbm>>)
    %dma_start3A_287 = arith.constant 30400000 : i32
    %dma_start3A_288 = tpu.memref_slice %arg1[%dma_start3A_287] : memref<32000000xf32, #tpu.memory_space<hbm>> -> memref<800000xf32, #tpu.memory_space<hbm>>
    tpu.enqueue_dma source(%dma_start3A_288 : memref<800000xf32, #tpu.memory_space<hbm>>) target(%arg6 : memref<800000xf32, #tpu.memory_space<vmem>>) target_semaphore(%arg10 : memref<!tpu.dma_semaphore, #tpu.memory_space<semaphore_mem>>)
    %dma_wait3A_289 = arith.constant 28000000 : i32
    %dma_wait3A_290 = tpu.memref_slice %arg1[%dma_wait3A_289] : memref<32000000xf32, #tpu.memory_space<hbm>> -> memref<800000xf32, #tpu.memory_space<hbm>>
    tpu.wait_dma2 semaphore(%arg11 : memref<!tpu.dma_semaphore, #tpu.memory_space<semaphore_mem>>) src(%dma_wait3A_290 : memref<800000xf32, #tpu.memory_space<hbm>>) dst(%arg7 : memref<800000xf32, #tpu.memory_space<vmem>>)
    %dma_start3A_291 = arith.constant 28000000 : i32
    %dma_start3A_292 = tpu.memref_slice %arg2[%dma_start3A_291] : memref<32000000xf32, #tpu.memory_space<hbm>> -> memref<800000xf32, #tpu.memory_space<hbm>>
    tpu.enqueue_dma source(%arg7 : memref<800000xf32, #tpu.memory_space<vmem>>) target(%dma_start3A_292 : memref<800000xf32, #tpu.memory_space<hbm>>) target_semaphore(%arg15 : memref<!tpu.dma_semaphore, #tpu.memory_space<semaphore_mem>>)
    %dma_wait3A_293 = arith.constant 28000000 : i32
    %dma_wait3A_294 = tpu.memref_slice %arg2[%dma_wait3A_293] : memref<32000000xf32, #tpu.memory_space<hbm>> -> memref<800000xf32, #tpu.memory_space<hbm>>
    tpu.wait_dma2 semaphore(%arg15 : memref<!tpu.dma_semaphore, #tpu.memory_space<semaphore_mem>>) src(%arg7 : memref<800000xf32, #tpu.memory_space<vmem>>) dst(%dma_wait3A_294 : memref<800000xf32, #tpu.memory_space<hbm>>)
    %dma_start3A_295 = arith.constant 31200000 : i32
    %dma_start3A_296 = tpu.memref_slice %arg1[%dma_start3A_295] : memref<32000000xf32, #tpu.memory_space<hbm>> -> memref<800000xf32, #tpu.memory_space<hbm>>
    tpu.enqueue_dma source(%dma_start3A_296 : memref<800000xf32, #tpu.memory_space<hbm>>) target(%arg7 : memref<800000xf32, #tpu.memory_space<vmem>>) target_semaphore(%arg11 : memref<!tpu.dma_semaphore, #tpu.memory_space<semaphore_mem>>)
    %dma_wait3A_297 = arith.constant 28800000 : i32
    %dma_wait3A_298 = tpu.memref_slice %arg1[%dma_wait3A_297] : memref<32000000xf32, #tpu.memory_space<hbm>> -> memref<800000xf32, #tpu.memory_space<hbm>>
    tpu.wait_dma2 semaphore(%arg8 : memref<!tpu.dma_semaphore, #tpu.memory_space<semaphore_mem>>) src(%dma_wait3A_298 : memref<800000xf32, #tpu.memory_space<hbm>>) dst(%arg4 : memref<800000xf32, #tpu.memory_space<vmem>>)
    %dma_start3A_299 = arith.constant 28800000 : i32
    %dma_start3A_300 = tpu.memref_slice %arg2[%dma_start3A_299] : memref<32000000xf32, #tpu.memory_space<hbm>> -> memref<800000xf32, #tpu.memory_space<hbm>>
    tpu.enqueue_dma source(%arg4 : memref<800000xf32, #tpu.memory_space<vmem>>) target(%dma_start3A_300 : memref<800000xf32, #tpu.memory_space<hbm>>) target_semaphore(%arg12 : memref<!tpu.dma_semaphore, #tpu.memory_space<semaphore_mem>>)
    %dma_wait3A_301 = arith.constant 29600000 : i32
    %dma_wait3A_302 = tpu.memref_slice %arg1[%dma_wait3A_301] : memref<32000000xf32, #tpu.memory_space<hbm>> -> memref<800000xf32, #tpu.memory_space<hbm>>
    tpu.wait_dma2 semaphore(%arg9 : memref<!tpu.dma_semaphore, #tpu.memory_space<semaphore_mem>>) src(%dma_wait3A_302 : memref<800000xf32, #tpu.memory_space<hbm>>) dst(%arg5 : memref<800000xf32, #tpu.memory_space<vmem>>)
    %dma_start3A_303 = arith.constant 29600000 : i32
    %dma_start3A_304 = tpu.memref_slice %arg2[%dma_start3A_303] : memref<32000000xf32, #tpu.memory_space<hbm>> -> memref<800000xf32, #tpu.memory_space<hbm>>
    tpu.enqueue_dma source(%arg5 : memref<800000xf32, #tpu.memory_space<vmem>>) target(%dma_start3A_304 : memref<800000xf32, #tpu.memory_space<hbm>>) target_semaphore(%arg13 : memref<!tpu.dma_semaphore, #tpu.memory_space<semaphore_mem>>)
    %dma_wait3A_305 = arith.constant 30400000 : i32
    %dma_wait3A_306 = tpu.memref_slice %arg1[%dma_wait3A_305] : memref<32000000xf32, #tpu.memory_space<hbm>> -> memref<800000xf32, #tpu.memory_space<hbm>>
    tpu.wait_dma2 semaphore(%arg10 : memref<!tpu.dma_semaphore, #tpu.memory_space<semaphore_mem>>) src(%dma_wait3A_306 : memref<800000xf32, #tpu.memory_space<hbm>>) dst(%arg6 : memref<800000xf32, #tpu.memory_space<vmem>>)
    %dma_start3A_307 = arith.constant 30400000 : i32
    %dma_start3A_308 = tpu.memref_slice %arg2[%dma_start3A_307] : memref<32000000xf32, #tpu.memory_space<hbm>> -> memref<800000xf32, #tpu.memory_space<hbm>>
    tpu.enqueue_dma source(%arg6 : memref<800000xf32, #tpu.memory_space<vmem>>) target(%dma_start3A_308 : memref<800000xf32, #tpu.memory_space<hbm>>) target_semaphore(%arg14 : memref<!tpu.dma_semaphore, #tpu.memory_space<semaphore_mem>>)
    %dma_wait3A_309 = arith.constant 31200000 : i32
    %dma_wait3A_310 = tpu.memref_slice %arg1[%dma_wait3A_309] : memref<32000000xf32, #tpu.memory_space<hbm>> -> memref<800000xf32, #tpu.memory_space<hbm>>
    tpu.wait_dma2 semaphore(%arg11 : memref<!tpu.dma_semaphore, #tpu.memory_space<semaphore_mem>>) src(%dma_wait3A_310 : memref<800000xf32, #tpu.memory_space<hbm>>) dst(%arg7 : memref<800000xf32, #tpu.memory_space<vmem>>)
    %dma_start3A_311 = arith.constant 31200000 : i32
    %dma_start3A_312 = tpu.memref_slice %arg2[%dma_start3A_311] : memref<32000000xf32, #tpu.memory_space<hbm>> -> memref<800000xf32, #tpu.memory_space<hbm>>
    tpu.enqueue_dma source(%arg7 : memref<800000xf32, #tpu.memory_space<vmem>>) target(%dma_start3A_312 : memref<800000xf32, #tpu.memory_space<hbm>>) target_semaphore(%arg15 : memref<!tpu.dma_semaphore, #tpu.memory_space<semaphore_mem>>)
    %dma_wait3A_313 = arith.constant 28800000 : i32
    %dma_wait3A_314 = tpu.memref_slice %arg2[%dma_wait3A_313] : memref<32000000xf32, #tpu.memory_space<hbm>> -> memref<800000xf32, #tpu.memory_space<hbm>>
    tpu.wait_dma2 semaphore(%arg12 : memref<!tpu.dma_semaphore, #tpu.memory_space<semaphore_mem>>) src(%arg4 : memref<800000xf32, #tpu.memory_space<vmem>>) dst(%dma_wait3A_314 : memref<800000xf32, #tpu.memory_space<hbm>>)
    %dma_wait3A_315 = arith.constant 29600000 : i32
    %dma_wait3A_316 = tpu.memref_slice %arg2[%dma_wait3A_315] : memref<32000000xf32, #tpu.memory_space<hbm>> -> memref<800000xf32, #tpu.memory_space<hbm>>
    tpu.wait_dma2 semaphore(%arg13 : memref<!tpu.dma_semaphore, #tpu.memory_space<semaphore_mem>>) src(%arg5 : memref<800000xf32, #tpu.memory_space<vmem>>) dst(%dma_wait3A_316 : memref<800000xf32, #tpu.memory_space<hbm>>)
    %dma_wait3A_317 = arith.constant 30400000 : i32
    %dma_wait3A_318 = tpu.memref_slice %arg2[%dma_wait3A_317] : memref<32000000xf32, #tpu.memory_space<hbm>> -> memref<800000xf32, #tpu.memory_space<hbm>>
    tpu.wait_dma2 semaphore(%arg14 : memref<!tpu.dma_semaphore, #tpu.memory_space<semaphore_mem>>) src(%arg6 : memref<800000xf32, #tpu.memory_space<vmem>>) dst(%dma_wait3A_318 : memref<800000xf32, #tpu.memory_space<hbm>>)
    %dma_wait3A_319 = arith.constant 31200000 : i32
    %dma_wait3A_320 = tpu.memref_slice %arg2[%dma_wait3A_319] : memref<32000000xf32, #tpu.memory_space<hbm>> -> memref<800000xf32, #tpu.memory_space<hbm>>
    tpu.wait_dma2 semaphore(%arg15 : memref<!tpu.dma_semaphore, #tpu.memory_space<semaphore_mem>>) src(%arg7 : memref<800000xf32, #tpu.memory_space<vmem>>) dst(%dma_wait3A_320 : memref<800000xf32, #tpu.memory_space<hbm>>)
    return
  }
  func.func @transform_2(%arg0: i32) -> (i32, i32) {
    %c0_i32 = arith.constant 0 : i32
    %c0_i32_0 = arith.constant 0 : i32
    %c0_i32_1 = arith.constant 0 : i32
    return %c0_i32, %c0_i32_0 : i32, i32
  }
}

</mosaic_0001>

<sc_bundles>
// kernel: sparse-core-data-format-call.cloned.1.call-start
scs
called_computation_lowered:
.L_overlay_start_0:
0x0: {  	s2 =	sld [smem:$0x3FD9]  }
0x1: {  	s3 =	sld [smem:$0x3FFE];
	_ =	sdelay $0x1  }
0x2: {  	s1 =	srdreg.scid  }
0x3: {  	s0 =	sand.u32 $0x1, s1  }
0x4: {  	s15 =	sshll.u32 s0, $0xA;
	s2 =	sadd.s32 s3, s2  }
0x5: {  	s2 =	sadd.s32 s2, s15  }
0x6: {  	[smem:$0x3FC7] =	sst s2  }
0x7: {  	_ = 	snop  }
0x8: {  	s2 =	sld [smem:$0x3FD0];
	_ =	sdelay $0x2  }
0x9: {  	s16 =	simm.s32 $0xA;
	s4 =	simm.s32 $0x10  }
0xa: {  	[smem:s4], [sflag:s16] =	dma.local [hbm:s2], $0x1  }
0xb: {  	_ =	swait.eq [sflag:s16], $0x1  }
0xc: {  	[sflag:s16] =	ssyncset.done $0x0  }
0xd: {  	[sflag:s16] =	ssyncadd.s32 $0xFFFFFFFF  }
0xe: {  	s17 =	sld [smem:$0x10];
	(tm) =	ssettm $0x1  }
0xf: {  	s18 =	sld [smem:$0x3FFB];
	_ =	sdelay $0x3  }
0x10: {  	_ =	strace s18  }
0x11: {  	s3 =	sld [smem:$0x3FFC];
	_ =	sdelay $0x3  }
0x12: {  	_ =	strace s3  }
0x13: {  	s3 =	sld [smem:$0x3FFD];
	_ =	sdelay $0x3  }
0x14: {  	_ =	strace s3  }
0x15: {  	_ =	strace $0x8FFFFFFF  }
0x16: {  	s19 =	sld [smem:$0x3FDB];
	_ =	sdelay $0x1  }
0x17: {  	s20 =	simm.s32 $_scs_section_size  }
0x18: {  	s5 =	simm.s32 $_size__tile_overlayer_lowered;
	s6 =	simm.s32 $_tile_overlayer_lowered  }
0x19: {  	s23 =	simm.s32 $0x1BFF;
	s22 =	sshll.u32 s6, $0x1;
	s3 =	sadd.s32 s20, s19  }
0x1a: {  	s7 =	simm.s32 $0x0;
	s21 =	sshll.u32 s5, $0x1;
	s5 =	sadd.s32 s22, s3  }
0x1b: {  	[timem:s7], [sflag:s23] =	dma.local [hbm:s5], s21  }
0x1c: {  	_ =	swait.ge [sflag:s23], s21  }
0x1d: {  	s4 =	ssub.s32 $0x0, s21;
	[sflag:s23] =	ssyncset.done $0x0  }
0x1e: {  	[sflag:s23] =	ssyncadd.s32 s4;
	_ =	sdelay $0x1  }
0x1f: {  	s24 =	simm.s32 $0x1B8B  }
0x20: {  	_ =	swait.ge [sflag:s24], $0x1  }
0x21: {  	[sflag:s24] =	ssyncset.done $0x0  }
0x22: {  	s26 =	simm.s32 $0x1B8E;
	s25 =	sld [smem:$0x3FFE];
	[sflag:s24] =	ssyncadd.s32 $0xFFFFFFFF  }
0x23: {  	s27 =	simm.s32 $execute0_lowered;
	[smem:$0x3FD2] =	sst s26  }
0x24: {  	s5 =	sshll.u32 s27, $0x1;
	_ =	strace $0x80000046;
	[dreg:$0x1] =	wrdreg $0xFFFFFFFF  }
0x25: {  	s28 =	simm.s32 $_size_execute0_lowered;
	s3 =	sadd.s32 s3, s5;
	[dreg:$0x0] =	wrdreg $0x0  }
0x26: {  	s5 =	sshll.u32 s28, $0x1;
	[dreg:$0x2] =	wrdreg s3  }
0x27: {  	[dreg:$0x3] =	wrdreg s5  }
0x28: {  	[dreg:$0x4] =	wrdreg $0xC0  }
0x29: {  	_ =	task [dreg:s7], $0x5FFFF  }
0x2a: {  	[dreg:$0x1] =	wrdreg $0xFFFFFFFF  }
0x2b: {  	[dreg:$0x0] =	wrdreg $0x60  }
0x2c: {  	[dreg:$0x2] =	wrdreg s25  }
0x2d: {  	[dreg:$0x3] =	wrdreg s17  }
0x2e: {  	[dreg:$0x4] =	wrdreg $0x9  }
0x2f: {  	_ =	task.clear_ibuf [dreg:s7], $0x5FFFF;
	_ =	strace $0x90000046  }
0x30: {  	s29 =	simm.s32 $0x9;
	_ =	strace $0x80000048  }
0x31: {  	_ =	swait.ge [sflag:s29], $0x1  }
0x32: {  	[sflag:s29] =	ssyncadd.s32 $0xFFFFFFFF  }
0x33: {  	_ =	strace $0x90000048  }
0x34: {  	_ =	sfence  }
0x35: {  	s30 =	sld [smem:$0x0];
	_ =	sdelay $0x2  }
0x36: {  	s31 =	sshll.u32 s1, $0xD;
	s1 =	sshrl.u32 s1, $0x2  }
0x37: {  	s3 =	sand.u32 $0x4000, s31;
	s1 =	sadd.s32 s1, s30  }
0x38: {  	s0 =	sor.u32 s3, s0;
	s1 =	sshll.u32 s1, $0x11  }
0x39: {  	s0 =	sor.u32 s1, s0  }
0x3a: {  	s0 =	sadd.s32 $0x8F2B, s0  }
0x3b: {  	[sflag:s0] =	ssyncadd.remote.s32 $0x1  }
0x3c: {  	_ =	sfence.sel $0xFFFF  }
0x3d: {  	[dreg:$0x0] =	wrdreg $0xFFFFFFFF;
	(pc) =	sbr.abs _section_cstart, $3  }
0x3e: {  	[dreg:$0x1] =	wrdreg $0xFFFFFFFF  }
0x3f: {  	_ =	task.clear_ibuf [dreg:s7], $0x2FFFF;
	_ =	strace $0x9FFFFFFF  }
0x40: {  	(tm) =	ssettm $0x7FFFFFFF  }
0x41: {  	_ =	shalt  }
tec
execute0_lowered:
.L_overlay_start_1:
0x0: {  	(tag) =	ssettag $0x1  }
0x1: {  	s4 =	rddreg [dreg:$0x0]  }
0x2: {  	s0 =	srdreg.scid;
	s2 =	rddreg [dreg:$0x1]  }
0x3: {  	s1 =	stileid.u32;
	s5 =	simm.s32 $0x1;
	s0 =	sshll.u32 s0, $0x4  }
0x4: {  	s7 =	simm.s32 $0x2;
	s11 =	simm.s32 $0x0;
	s3 =	sand.u32 $0x10, s0  }
.Ltmp0:
0x5: {  	p0 =	por $0x0, $0x0;
	s3 =	sor.u32 s1, s3;
	(pc) =	sbr.rel .LBB1_1-.Ltmp0, $4  }
0x6: {  	s8 =	simm.s32 $0x3D0C00;
	s10 =	simm.s32 $0x0;
	s3 =	sshll.u32 s3, $0x7  }
0x7: {  	s0 =	rddreg [dreg:$0x2];
	_ =	strace $0x80000047;
	s6 =	ssub.s32 $0x7A100, s3  }
0x8: {  	s4 =	sadd.s32 $0x411400, s4;
	[sflag:s5] =	ssyncpa.u1 $0x0;
	s6 =	sshrl.u32 s6, $0xC  }
0x9: {  	[sflag:s7] =	ssyncpa.u1 $0x0;
	s9 =	smov.u32 s3;
	s7 =	sadd.s32 $0x2, s6  }
.LBB1_5:
0xa: {  	s13 =	sadd.s32 $0x1000, s9  }
0xb: {  	p2 =	sgt.s32 s13, $0x7A11F  }
0xc: {  	s13 =	smov.u32 @p2 s3;
	p2 =	sne.s32 s10, s7  }
.Ltmp1:
0xd: {  	p1 =	slt.u32 s10, $0x2;
	(pc) =	sbr.rel @!p2 .LBB1_6-.Ltmp1, $4  }
0xe: {  	s12 =	simm.s32 @!p1 $0x2  }
0xf: {  	s14 =	sadd.s32 $0x1, s10;
	_ =	swait.ge @!p1 [sflag:s12], $0x2000  }
0x10: {  	s11 =	smov.u32 s9;
	p0 =	por !p0, !p0;
	[sflag:s12] =	ssyncset.done @!p1 $0x0  }
0x11: {  	s10 =	smov.u32 s14;
	s9 =	smov.u32 s13;
	[sflag:s12] =	ssyncadd.s32 @!p1 $0xFFFFE000  }
.LBB1_1:
0x12: {  	p1 =	sgt.u32 s10, s6  }
0x13: {  	s13 =	smov.u32 s9;
	p2 =	sgt.s32 @!p1 s9, $0x7A0A0  }
0x14: {  	s12 =	sand.u32 @!p1 $0x1FFFFFF, s9;
	s14 =	sshra.s32 @!p1 s9, $0x1F;
	p2 =	por !p2, p1  }
0x15: {  	s15 =	smulhi.u32 @!p1 $0x218DEF5, s12;
	s14 =	sand.u32 @!p1 s14, s9;
	s13 =	simm.s32 @p2 $0x7A0A0  }
0x16: {  	s13 =	ssub.s32 @!p1 s13, s14  }
0x17: {  	s14 =	sshrl.u32 @!p1 s15, $0xC;
	s13 =	sadd.s32 @!p1 $0xFFF85F60, s13  }
0x18: {  	s15 =	sxor.u32 @!p1 $0xFFFFFFFF, s10;
	s14 =	smul.u32 @!p1 $0x7A120, s14;
	s16 =	sshll.u32 @!p1 s13, $0x8  }
0x19: {  	s15 =	sshll.u32 @!p1 s15, $0xD;
	p2 =	sgt.s32 @!p1 s13, $0x7F;
	s13 =	ssub.s32 @!p1 $0x8000, s16  }
0x1a: {  	s12 =	ssub.s32 @!p1 s12, s14;
	p2 =	por !p2, p1;
	s14 =	sand.u32 @!p1 $0x2000, s15  }
0x1b: {  	s15 =	simm.s32 @!p1 $0x40;
	s13 =	sshrl.u32 @!p1 s13, $0x2;
	s12 =	sshll.u32 @!p1 s12, $0x4  }
0x1c: {  	s16 =	simm.s32 @!p1 $0x80;
	s13 =	simm.s32 @!p2 $0x0;
	s12 =	sadd.s32 @!p1 s4, s12  }
0x1d: {  	[tilespmem:s14], [sflag:$0x1] =	stream.strided.gather @!p1 [hbm4b:s12+s15], s13, s16, s15, $0x38;
	[tilespmem:$0x8080] =	vst v63  }
0x1e: {  	p1 =	seq.s32 s10, $0x0  }
0x1f: {  	p2 =	sge.u32 @!p1 s10, s7  }
0x20: {  	p1 =	por p1, p2  }
.Ltmp2:
0x21: {  	_ = 	snop;
	(pc) =	sbr.rel @p1 .LBB1_5-.Ltmp2, $1  }
0x22: {  	_ =	sdelay $0x3  }
0x23: {  	p1 =	sgt.s32 s11, $0x7A0A0;
	s12 =	smov.u32 s11;
	s13 =	sshra.s32 s11, $0x1F  }
0x24: {  	s12 =	simm.s32 @!p1 $0x7A0A0;
	s13 =	sand.u32 s13, s11  }
0x25: {  	s12 =	ssub.s32 s12, s13  }
0x26: {  	s12 =	sadd.s32 $0xFFF85F60, s12  }
0x27: {  	s28 =	sshll.u32 s12, $0x8  }
0x28: {  	s13 =	ssub.s32 $0x8000, s28  }
0x29: {  	p1 =	sgt.s32 s12, $0x7F;
	s12 =	sshrl.u32 s13, $0x2  }
0x2a: {  	s13 =	simm.s32 $0x1;
	s12 =	simm.s32 @p1 $0x0  }
0x2b: {  	s13 =	simm.s32 @!p0 $0x0;
	_ =	swait.ge [sflag:s5], s12  }
0x2c: {  	s14 =	sshll.u32 s13, $0xD;
	s12 =	ssub.s32 $0x0, s12;
	[sflag:s5] =	ssyncset.done $0x0  }
0x2d: {  	s16 =	sor.u32 $0x20, s14;
	[sflag:s5] =	ssyncadd.s32 s12  }
0x2e: {  	s29 =	smul.u32 $0x8100, s13;
	v3 =	vld [tilespmem:s16+$0x10]  }
0x2f: {  	s30 =	sand.u32 $0x1, s10;
	v2 =	vld [tilespmem:s16+$0xFFFFFFF0]  }
0x30: {  	s13 =	smul.u32 $0x8100, s30;
	s12 =	sshrl.u32 s29, $0x2;
	v0 =	vld [tilespmem:s16+$0x0]  }
0x31: {  	s14 =	sor.u32 $0x4000, s12;
	v1 =	vld [tilespmem:s16+$0xFFFFFFE0]  }
0x32: {  	s31 =	sshrl.u32 s13, $0x2;
	s13 =	sadd.s32 $0x0, s14  }
0x33: {  	s15 =	simm.s32 $0x4;
	s12 =	sor.u32 $0x4000, s31;
	s16 =	sadd.s32 $0x40, s16;
	[tilespmem:s13+$0x1830 ss:$0x81] =	vst.msk $0xffff, v3  }
.LBB1_3:
0x34: {  	v3 =	vld [tilespmem:s16+$0x10];
	p1 =	sne.s32 s15, $0x1FC;
	[tilespmem:s13+$0x810 ss:$0x81] =	vst.msk $0xffff, v2;
	s17 =	smov.u32 s15;
	s15 =	sadd.s32 $0x4, s15  }
.Ltmp3:
0x35: {  	v2 =	vld [tilespmem:s16+$0xFFFFFFF0];
	[tilespmem:s13+$0x1020 ss:$0x81] =	vst.msk $0xffff, v0;
	(pc) =	sbr.rel @p1 .LBB1_3-.Ltmp3, $4  }
0x36: {  	v0 =	vld [tilespmem:s16+$0x0];
	[tilespmem:s13+$0x0 ss:$0x81] =	vst.msk $0xffff, v1  }
0x37: {  	s13 =	sshra.s32 s17, $0x2;
	v1 =	vld [tilespmem:s16+$0xFFFFFFE0]  }
0x38: {  	s13 =	sadd.s32 s13, s14  }
0x39: {  	s16 =	sadd.s32 $0x40, s16;
	[tilespmem:s13+$0x1830 ss:$0x81] =	vst.msk $0xffff, v3  }
0x3a: {  	s14 =	sshll.u32 s11, $0x3  }
0x3b: {  	s14 =	sand.u32 $0xFFFFFC00, s14  }
0x3c: {  	s15 =	sshrl.u32 s14, $0x7  }
0x3d: {  	s15 =	smulhi.u32 $0x10C6249, s15;
	_ =	sdelay $0x1  }
0x3e: {  	s15 =	sshrl.u32 s15, $0x4  }
0x3f: {  	s28 =	sand.u32 $0x7F, s11;
	s16 =	smul.u32 $0x7A180, s15  }
0x40: {  	s11 =	sor.u32 s28, s14  }
.Ltmp4:
0x41: {  	s29 =	sand.u32 $0x3F, s15;
	s11 =	ssub.s32 s11, s16;
	(pc) =	sbr.rel .LBB1_5-.Ltmp4, $4  }
0x42: {  	[tilespmem:s13+$0x810 ss:$0x81] =	vst.msk $0xffff, v2;
	s14 =	smul.u32 $0xF430, s29;
	s30 =	sshrl.u32 s11, $0x3;
	s11 =	sand.u32 $0x7, s11  }
0x43: {  	[tilespmem:s13+$0x1020 ss:$0x81] =	vst.msk $0xffff, v0;
	s15 =	sadd.s32 s2, s30;
	s11 =	sshll.u32 s11, $0x12  }
0x44: {  	[tilespmem:s13+$0x0 ss:$0x81] =	vst.msk $0xffff, v1;
	s31 =	sadd.s32 s14, s15;
	s11 =	sor.u32 $0x400, s11  }
0x45: {  	[hbm4b:s31+s11] =	stream.strided.scatter [tilespmem:s12], [sflag:$0x2], $0x2000, s8, s11, $0x20;
	[tilespmem:$0x8080] =	vst v63  }
.LBB1_6:
0x46: {  	_ =	sfence.sel $0x180000  }
0x47: {  	s2 =	simm.s32 $0x1;
	[bflag:$0x0] =	sbarrier.arrive $0xFFFF  }
0x48: {  	s31 =	simm.s32 $0x2;
	[sflag:s2] =	ssyncpa.u1 $0x1  }
0x49: {  	[sflag:s31] =	ssyncpa.u1 $0x1  }
0x4a: {  	p0 =	sne.s32 s1, $0x0;
	_ =	strace $0x90000047  }
0x4b: {  	s0 =	sadd.s32 @!p0 $0x100000, s0;
	[bflag:$0x2] =	sbarrier.arrive $0xFFFF  }
0x4c: {  	[sflag:s0] =	ssyncadd.tile.s32 @!p0 $0x1;
	_ =	shalt  }
.Lfunc_end1:
_tile_overlayer_lowered:
.L_overlay_start_2:
0x4d: {  	(tag) =	ssettag $0x2  }
0x4e: {  	s0 =	rddreg [dreg:$0x0];
	s2 =	stileid.u32  }
0x4f: {  	s1 =	rddreg [dreg:$0x1];
	p0 =	sne.s32 s2, $0x0  }
0x50: {  	s3 =	rddreg [dreg:$0x2];
	[bflag:$0x3] =	sbarrier.arrive $0xFFFF;
	s2 =	simm.s32 @!p0 $0x1C01  }
0x51: {  	[timem:s3], [sflag:s2] =	dma.local @!p0 [hbm:s0], s1  }
0x52: {  	s0 =	simm.s32 @!p0 $0x1  }
0x53: {  	_ =	swait.ge @!p0 [sflag:s0], s1  }
0x54: {  	s1 =	ssub.s32 @!p0 $0x0, s1;
	[sflag:s0] =	ssyncset.done @!p0 $0x0  }
0x55: {  	[sflag:s0] =	ssyncadd.s32 @!p0 s1  }
0x56: {  	[bflag:$0x3] =	sbarrier.arrive $0xFFFF  }
0x57: {  	_ =	shalt  }

</sc_bundles>
